<compile_context>
chip_gen: v7x
topology: tpu7x:2x2x1
jax: 0.10.2.dev20260603
libtpu: 0.0.44.dev20260713+nightly
codegen_flags: <defaults>
</compile_context>

<pallas_src>
import functools

import jax
import jax.numpy as jnp
from jax import lax
from jax.experimental import pallas as pl
from jax.experimental.pallas import tpu as pltpu
from jax.experimental.pallas import tpu_sc as plsc

N_NODES = 10000
N_HE = 10000
N_INC = 320000
D = 128
HEADS = 4
C = D // HEADS
TW = D + 16
ROWS = 1000
NC, NS = 2, 16
NW = NC * NS
EPW = N_INC // NW
CH = 80
CPW = EPW // CH
TACC = 10240
RPT = TACC // NS


def _dot(a, b):
    return lax.dot_general(a, b, (((1,), (0,)), ((), ())),
                           precision=lax.Precision.HIGHEST,
                           preferred_element_type=jnp.float32)


def _pre_math(x, kf, m128, qs16, vf):
    xk = _dot(x, kf)
    es128 = jnp.exp(_dot(xk, m128))
    es16 = jnp.exp(_dot(xk, qs16))
    xv = _dot(x, vf)
    return es128 * xv, es16


def _ln(z, w, b):
    mu = jnp.mean(z, axis=1, keepdims=True)
    var = jnp.mean((z - mu) ** 2, axis=1, keepdims=True)
    return (z - mu) * lax.rsqrt(var + 1e-5) * w + b


def _post_math(acc, g, qf, ln0w, ln0b, ln1w, ln1b, w1, b1, w2, b2):
    num = acc[:, :D]
    den = _dot(acc, g)
    z = jnp.where(den == 0.0, 0.0, num / jnp.where(den == 0.0, 1.0, den)) + qf
    z = _ln(z, ln0w, ln0b)
    h = _dot(jnp.maximum(_dot(z, w1) + b1, 0.0), w2) + b2
    z = z + jnp.maximum(h, 0.0)
    return jnp.maximum(_ln(z, ln1w, ln1b), 0.0)


def _pre_kernel(x_ref, kf_ref, m_ref, qs_ref, vf_ref, exv_ref, es_ref):
    exv, es = _pre_math(x_ref[...], kf_ref[...], m_ref[...], qs_ref[...], vf_ref[...])
    exv_ref[...] = exv
    es_ref[...] = es


def _mid_kernel(p0_ref, p1_ref, g_ref, qf_ref, l0w_ref, l0b_ref, l1w_ref, l1b_ref,
                w1_ref, b1_ref, w2_ref, b2_ref, kf_ref, m_ref, qs_ref, vf_ref,
                x1_ref, exv_ref, es_ref):
    acc = p0_ref[...] + p1_ref[...]
    x1 = _post_math(acc, g_ref[...], qf_ref[...], l0w_ref[...], l0b_ref[...],
                    l1w_ref[...], l1b_ref[...], w1_ref[...], b1_ref[...],
                    w2_ref[...], b2_ref[...])
    x1_ref[...] = x1
    exv, es = _pre_math(x1, kf_ref[...], m_ref[...], qs_ref[...], vf_ref[...])
    exv_ref[...] = exv
    es_ref[...] = es


def _post_kernel(p0_ref, p1_ref, g_ref, qf_ref, l0w_ref, l0b_ref, l1w_ref, l1b_ref,
                 w1_ref, b1_ref, w2_ref, b2_ref, out_ref):
    acc = p0_ref[...] + p1_ref[...]
    out_ref[...] = _post_math(acc, g_ref[...], qf_ref[...], l0w_ref[...], l0b_ref[...],
                              l1w_ref[...], l1b_ref[...], w1_ref[...], b1_ref[...],
                              w2_ref[...], b2_ref[...])


def _row_spec(w):
    return pl.BlockSpec((ROWS, w), lambda i: (i, 0))


def _full_spec(r, w):
    return pl.BlockSpec((r, w), lambda i: (0, 0))


_W_SPECS_POST = [_full_spec(TW, D), _full_spec(1, D), _full_spec(1, D), _full_spec(1, D),
                 _full_spec(1, D), _full_spec(1, D), _full_spec(D, D), _full_spec(1, D),
                 _full_spec(D, D), _full_spec(1, D)]
_W_SPECS_PRE = [_full_spec(D, D), _full_spec(D, D), _full_spec(D, 16), _full_spec(D, D)]


def _run_pre(x, kf, m128, qs16, vf, n):
    return pl.pallas_call(
        _pre_kernel,
        grid=(n // ROWS,),
        in_specs=[_row_spec(D)] + _W_SPECS_PRE,
        out_specs=[_row_spec(D), _row_spec(16)],
        out_shape=[jax.ShapeDtypeStruct((n, D), jnp.float32),
                   jax.ShapeDtypeStruct((n, 16), jnp.float32)],
    )(x, kf, m128, qs16, vf)


def _run_mid(p0, p1, postw, prew, n):
    return pl.pallas_call(
        _mid_kernel,
        grid=(n // ROWS,),
        in_specs=[_row_spec(TW), _row_spec(TW)] + _W_SPECS_POST + _W_SPECS_PRE,
        out_specs=[_row_spec(D), _row_spec(D), _row_spec(16)],
        out_shape=[jax.ShapeDtypeStruct((n, D), jnp.float32),
                   jax.ShapeDtypeStruct((n, D), jnp.float32),
                   jax.ShapeDtypeStruct((n, 16), jnp.float32)],
    )(p0, p1, *postw, *prew)


def _run_post(p0, p1, postw, n):
    return pl.pallas_call(
        _post_kernel,
        grid=(n // ROWS,),
        in_specs=[_row_spec(TW), _row_spec(TW)] + _W_SPECS_POST,
        out_specs=_row_spec(D),
        out_shape=jax.ShapeDtypeStruct((n, D), jnp.float32),
    )(p0, p1, *postw)


def _sc_body(table_hbm, src_hbm, tgt_hbm, zeros_hbm, out_hbm,
             src_a, tgt_a, rows_a, src_b, tgt_b, rows_b, sem_a, sem_b, acc_sh):
    cid = lax.axis_index("c")
    sid = lax.axis_index("s")
    wid = cid * NS + sid
    pltpu.sync_copy(zeros_hbm, rows_a)

    def zbody(j, carry):
        row0 = pl.multiple_of(sid * RPT + j * CH, 8)
        pltpu.sync_copy(rows_a, acc_sh.at[pl.ds(row0, CH)])
        return carry

    lax.fori_loop(0, RPT // CH, zbody, 0)
    plsc.subcore_barrier()
    base = pl.multiple_of(wid * EPW, 8)

    def stage_and_fire(k, src_v, tgt_v, rows_v, sem):
        off = pl.multiple_of(base + k * CH, 8)
        pltpu.sync_copy(src_hbm.at[pl.ds(off, CH)], src_v)
        pltpu.sync_copy(tgt_hbm.at[pl.ds(off, CH)], tgt_v)
        pltpu.async_copy(table_hbm.at[src_v], rows_v, sem)

    stage_and_fire(0, src_a, tgt_a, rows_a, sem_a)

    def body(i, carry):
        stage_and_fire(2 * i + 1, src_b, tgt_b, rows_b, sem_b)
        pltpu.make_async_copy(table_hbm.at[src_a], rows_a, sem_a).wait()
        pltpu.sync_copy(rows_a, acc_sh.at[tgt_a], add=True)
        stage_and_fire(2 * i + 2, src_a, tgt_a, rows_a, sem_a)
        pltpu.make_async_copy(table_hbm.at[src_b], rows_b, sem_b).wait()
        pltpu.sync_copy(rows_b, acc_sh.at[tgt_b], add=True)
        return carry

    lax.fori_loop(0, (CPW - 1) // 2, body, 0)
    pltpu.make_async_copy(table_hbm.at[src_a], rows_a, sem_a).wait()
    pltpu.sync_copy(rows_a, acc_sh.at[tgt_a], add=True)
    plsc.subcore_barrier()

    def dbody(j, carry):
        row0 = pl.multiple_of(sid * RPT + j * CH, 8)
        pltpu.sync_copy(acc_sh.at[pl.ds(row0, CH)], rows_a)
        pltpu.sync_copy(rows_a, out_hbm.at[pl.ds(cid * TACC + row0, CH)])
        return carry

    lax.fori_loop(0, RPT // CH, dbody, 0)


@functools.cache
def _make_sc_segsum():
    return pl.kernel(
        _sc_body,
        out_type=jax.ShapeDtypeStruct((NC * TACC, TW), jnp.float32),
        mesh=plsc.VectorSubcoreMesh(core_axis_name="c", subcore_axis_name="s"),
        compiler_params=pltpu.CompilerParams(use_tc_tiling_on_sc=False),
        scratch_types=[
            pltpu.VMEM((CH,), jnp.int32),
            pltpu.VMEM((CH,), jnp.int32),
            pltpu.VMEM((CH, TW), jnp.float32),
            pltpu.VMEM((CH,), jnp.int32),
            pltpu.VMEM((CH,), jnp.int32),
            pltpu.VMEM((CH, TW), jnp.float32),
            pltpu.SemaphoreType.DMA,
            pltpu.SemaphoreType.DMA,
            pltpu.VMEM_SHARED((TACC, TW), jnp.float32),
        ],
    )


def _sc_segsum(table, src, tgt, zeros_blk):
    return _make_sc_segsum()(table, src, tgt, zeros_blk)


def _prep_weights(k, q, v):
    kf = k.transpose(1, 0, 2).reshape(D, D)
    vf = v.transpose(1, 0, 2).reshape(D, D)
    qflat = q[:, 0, :].reshape(1, D)
    m128 = jnp.zeros((D, D), jnp.float32)
    qs16 = jnp.zeros((D, 16), jnp.float32)
    for h in range(HEADS):
        sl = slice(h * C, (h + 1) * C)
        m128 = m128.at[sl, sl].set(jnp.broadcast_to(q[h, 0][:, None], (C, C)))
        qs16 = qs16.at[sl, h].set(q[h, 0])
    return kf, vf, qflat, m128, qs16


def _den_selector():
    g = jnp.zeros((TW, D), jnp.float32)
    for h in range(HEADS):
        g = g.at[D + h, h * C:(h + 1) * C].set(1.0)
    return g


def kernel(x_0, incidence_1,
           v2e_K, v2e_Q, v2e_V, v2e_ln0_w, v2e_ln0_b, v2e_ln1_w, v2e_ln1_b,
           v2e_W1, v2e_b1, v2e_W2, v2e_b2,
           e2v_K, e2v_Q, e2v_V, e2v_ln0_w, e2v_ln0_b, e2v_ln1_w, e2v_ln1_b,
           e2v_W1, e2v_b1, e2v_W2, e2v_b2):
    node_idx = incidence_1[0].astype(jnp.int32)
    he_idx = incidence_1[1].astype(jnp.int32)
    zeros_blk = jnp.zeros((CH, TW), jnp.float32)
    g = _den_selector()

    kf_a, vf_a, qf_a, m_a, qs_a = _prep_weights(v2e_K, v2e_Q, v2e_V)
    kf_b, vf_b, qf_b, m_b, qs_b = _prep_weights(e2v_K, e2v_Q, e2v_V)
    r1 = lambda w: w.reshape(1, D)
    postw_a = [g, qf_a, r1(v2e_ln0_w), r1(v2e_ln0_b), r1(v2e_ln1_w), r1(v2e_ln1_b),
               v2e_W1, r1(v2e_b1), v2e_W2, r1(v2e_b2)]
    postw_b = [g, qf_b, r1(e2v_ln0_w), r1(e2v_ln0_b), r1(e2v_ln1_w), r1(e2v_ln1_b),
               e2v_W1, r1(e2v_b1), e2v_W2, r1(e2v_b2)]
    prew_b = [kf_b, m_b, qs_b, vf_b]

    exv_a, es_a = _run_pre(x_0, kf_a, m_a, qs_a, vf_a, N_NODES)
    table_a = jnp.concatenate([exv_a, es_a], axis=1)
    parts_a = _sc_segsum(table_a, node_idx, he_idx, zeros_blk)
    x_1, exv_b, es_b = _run_mid(parts_a[:N_HE], parts_a[TACC:TACC + N_HE],
                                postw_a, prew_b, N_HE)

    table_b = jnp.concatenate([exv_b, es_b], axis=1)
    parts_b = _sc_segsum(table_b, he_idx, node_idx, zeros_blk)
    x_0_out = _run_post(parts_b[:N_NODES], parts_b[TACC:TACC + N_NODES],
                        postw_b, N_NODES)
    return (x_0_out, x_1)

# --- scband reference (transcript-rebuilt; emitter-appended) ---
"""Pipeline reference for scband-all-set-transformer-64072322122411 (READ-ONLY COPY).

The authoritative reference and input builder live on the scoring server;
editing this copy changes nothing except your own understanding.
"""

import jax, jax.numpy as jnp
import numpy as np

N_NODES = 10000
N_HYPEREDGES = 10000
N_INC = 320000
IN_CH = 128
HID = 128
HEADS = 4
C = HID // HEADS
NQ = 1


def _ln(x, w, b, eps=1e-5):
    m = x.mean(-1, keepdims=True)
    v = x.var(-1, keepdims=True)
    return (x - m) / jnp.sqrt(v + eps) * w + b


def _block(x_src, tgt, src, n_tgt, K, Q, V, ln0w, ln0b, ln1w, ln1b, W1, b1, W2, b2):
    # MultiHeadAttention: sparse transformer attention restricted to incidence pattern
    xK = jnp.einsum('ni,hic->hnc', x_src, K)            # [H, Ns, C]
    alpha = jnp.einsum('hqc,hnc->hqn', Q, xK)           # [H, NQ, Ns]
    logits = alpha[:, :, src].transpose(2, 0, 1)        # [E, H, NQ]
    m = jax.lax.stop_gradient(jax.ops.segment_max(logits, tgt, num_segments=n_tgt))
    ex = jnp.exp(logits - m[tgt])
    den = jax.ops.segment_sum(ex, tgt, num_segments=n_tgt)
    w = ex / den[tgt]                                    # sparse softmax over sources per target
    xV = jnp.einsum('ni,hic->hnc', x_src, V)            # [H, Ns, C]
    msg = xV[:, src, :].transpose(1, 0, 2)              # [E, H, C]
    weighted = w[:, :, :, None] * msg[:, :, None, :]    # [E, H, NQ, C]
    out = jax.ops.segment_sum(weighted, tgt, num_segments=n_tgt)  # [T, H, NQ, C]
    # skip-connection with learned queries
    out = out + Q[None]                                 # broadcast [H, NQ, C]
    out = out.transpose(0, 2, 1, 3).reshape(n_tgt, NQ, HEADS * C)
    out = _ln(out, ln0w, ln0b)
    h = jnp.maximum(out @ W1 + b1, 0.0) @ W2 + b2       # MLP (eval mode: dropout = identity)
    out = out + jnp.maximum(h, 0.0)
    out = _ln(out, ln1w, ln1b)
    return out.sum(axis=1)                              # sum over queries


def setup_inputs(seed: int = 0):
    key = jax.random.key(seed)
    ks = jax.random.split(key, 16)
    x_0 = jax.random.normal(ks[0], (N_NODES, IN_CH), dtype=jnp.float32)
    nodes = jax.random.randint(ks[1], (N_INC,), 0, N_NODES)
    hedges = jax.random.randint(ks[2], (N_INC,), 0, N_HYPEREDGES)
    incidence_1 = jnp.stack([nodes, hedges]).astype(jnp.int64)
    inp = {'x_0': x_0, 'incidence_1': incidence_1}
    i = 3
    def wp(k, shape):
        fan_in = shape[-2] if len(shape) > 1 else shape[-1]
        return (jax.random.normal(k, shape, dtype=jnp.float32) / np.sqrt(fan_in)).astype(jnp.float32)
    for pre in ('v2e', 'e2v'):
        inp[pre + '_K'] = wp(ks[i], (HEADS, IN_CH, C)); i += 1
        inp[pre + '_Q'] = wp(ks[i], (HEADS, NQ, C)); i += 1
        inp[pre + '_V'] = wp(ks[i], (HEADS, IN_CH, C)); i += 1
        inp[pre + '_ln0_w'] = jnp.ones((HID,), jnp.float32)
        inp[pre + '_ln0_b'] = jnp.zeros((HID,), jnp.float32)
        inp[pre + '_ln1_w'] = jnp.ones((HID,), jnp.float32)
        inp[pre + '_ln1_b'] = jnp.zeros((HID,), jnp.float32)
        inp[pre + '_W1'] = wp(ks[i], (HID, HID)); i += 1
        inp[pre + '_b1'] = jnp.zeros((HID,), jnp.float32)
        inp[pre + '_W2'] = wp(ks[i], (HID, HID)); i += 1
        inp[pre + '_b2'] = jnp.zeros((HID,), jnp.float32)
    return inp


def reference(x_0, incidence_1,
              v2e_K, v2e_Q, v2e_V, v2e_ln0_w, v2e_ln0_b, v2e_ln1_w, v2e_ln1_b, v2e_W1, v2e_b1, v2e_W2, v2e_b2,
              e2v_K, e2v_Q, e2v_V, e2v_ln0_w, e2v_ln0_b, e2v_ln1_w, e2v_ln1_b, e2v_W1, e2v_b1, e2v_W2, e2v_b2):
    node_idx = incidence_1[0]
    he_idx = incidence_1[1]
    # vertex2edge: neighborhood = incidence^T, targets are hyperedges
    x_1 = jax.nn.relu(_block(x_0, he_idx, node_idx, N_HYPEREDGES,
                             v2e_K, v2e_Q, v2e_V, v2e_ln0_w, v2e_ln0_b, v2e_ln1_w, v2e_ln1_b,
                             v2e_W1, v2e_b1, v2e_W2, v2e_b2))
    # edge2vertex: neighborhood = incidence, targets are nodes
    x_0_out = jax.nn.relu(_block(x_1, node_idx, he_idx, N_NODES,
                                 e2v_K, e2v_Q, e2v_V, e2v_ln0_w, e2v_ln0_b, e2v_ln1_w, e2v_ln1_b,
                                 e2v_W1, e2v_b1, e2v_W2, e2v_b2))
    return (x_0_out, x_1)

if __name__ == "__main__":
    import jax
    _d = setup_inputs()
    print(jax.jit(kernel)(*tuple(_d.values())))

</pallas_src>

<mosaic_0001>
#map = affine_map<(d0, d1) -> (0, 0)>
#map1 = affine_map<(d0, d1) -> (0)>
module attributes {stable_mosaic.version = 14 : i64} {
  func.func @_sc_body(%arg0: i32, %arg1: i32, %arg2: memref<10000x144xf32, #tpu.memory_space<hbm>>, %arg3: memref<320000xi32, #tpu.memory_space<hbm>>, %arg4: memref<320000xi32, #tpu.memory_space<hbm>>, %arg5: memref<80x144xf32, #tpu.memory_space<hbm>>, %arg6: memref<20480x144xf32, #tpu.memory_space<hbm>>, %arg7: memref<80xi32, #tpu.memory_space<vmem>>, %arg8: memref<80xi32, #tpu.memory_space<vmem>>, %arg9: memref<80x144xf32, #tpu.memory_space<vmem>>, %arg10: memref<80xi32, #tpu.memory_space<vmem>>, %arg11: memref<80xi32, #tpu.memory_space<vmem>>, %arg12: memref<80x144xf32, #tpu.memory_space<vmem>>, %arg13: memref<!tpu.dma_semaphore, #tpu.memory_space<semaphore_mem>>, %arg14: memref<!tpu.dma_semaphore, #tpu.memory_space<semaphore_mem>>, %arg15: memref<10240x144xf32, #tpu.memory_space<vmem_shared>>) attributes {dimension_semantics = [#tpu.dimension_semantics<core_parallel>, #tpu.dimension_semantics<subcore_parallel>], iteration_bounds = array<i64: 2, 16>, scalar_prefetch = 0 : i64, scratch_operands = 9 : i64, tpu.core_type = #tpu.core_type<sc_vector_subcore>, window_params = [{transform_indices = #map}, {transform_indices = #map1}, {transform_indices = #map1}, {transform_indices = #map}, {transform_indices = #map}]} {
    %mul3A = arith.constant 16 : i32
    %mul3A_0 = arith.muli %arg0, %mul3A : i32
    %add3A = arith.addi %mul3A_0, %arg1 : i32
    "tpu.region"() ({
      %run_scoped3A = tpu.sem_alloc : memref<!tpu.dma_semaphore, #tpu.memory_space<semaphore_mem>>
      tpu.enqueue_dma source(%arg5 : memref<80x144xf32, #tpu.memory_space<hbm>>) target(%arg9 : memref<80x144xf32, #tpu.memory_space<vmem>>) target_semaphore(%run_scoped3A : memref<!tpu.dma_semaphore, #tpu.memory_space<semaphore_mem>>)
      tpu.wait_dma2 semaphore(%run_scoped3A : memref<!tpu.dma_semaphore, #tpu.memory_space<semaphore_mem>>) src(%arg5 : memref<80x144xf32, #tpu.memory_space<hbm>>) dst(%arg9 : memref<80x144xf32, #tpu.memory_space<vmem>>)
      tpu.yield
    }) : () -> ()
    %scan3A = arith.constant 0 : i32
    %scan3A_1 = arith.constant 0 : i32
    %scan3A_2 = arith.constant 8 : i32
    %scan3A_3 = arith.addi %scan3A_1, %scan3A_2 : i32
    %scan3A_4 = arith.constant 1 : i32
    scf.for %scan3A_28 = %scan3A_1 to %scan3A_3 step %scan3A_4  : i32 {
      %mul3A_29 = arith.constant 640 : i32
      %mul3A_30 = arith.muli %arg1, %mul3A_29 : i32
      %mul3A_31 = arith.constant 80 : i32
      %mul3A_32 = arith.muli %scan3A_28, %mul3A_31 : i32
      %add3A_33 = arith.addi %mul3A_30, %mul3A_32 : i32
      %multiple_of3A_34 = tpu.assume_multiple %add3A_33, 8 : i32
      "tpu.region"() ({
        %run_scoped3A = tpu.sem_alloc : memref<!tpu.dma_semaphore, #tpu.memory_space<semaphore_mem>>
        %dma_start3A_35 = arith.constant 0 : i32
        %dma_start3A_36 = tpu.memref_slice %arg15[%multiple_of3A_34, %dma_start3A_35] : memref<10240x144xf32, #tpu.memory_space<vmem_shared>> -> memref<80x144xf32, #tpu.memory_space<vmem_shared>>
        %dma_start3A_37 = arith.constant 0 : i32
        %dma_start3A_38 = tpu.memref_slice %arg15[%multiple_of3A_34, %dma_start3A_37] : memref<10240x144xf32, #tpu.memory_space<vmem_shared>> -> memref<80x144xf32, #tpu.memory_space<vmem_shared>>
        tpu.enqueue_dma source(%arg9 : memref<80x144xf32, #tpu.memory_space<vmem>>) target(%dma_start3A_38 : memref<80x144xf32, #tpu.memory_space<vmem_shared>>) target_semaphore(%run_scoped3A : memref<!tpu.dma_semaphore, #tpu.memory_space<semaphore_mem>>)
        %dma_wait3A_39 = arith.constant 0 : i32
        %dma_wait3A_40 = tpu.memref_slice %arg15[%multiple_of3A_34, %dma_wait3A_39] : memref<10240x144xf32, #tpu.memory_space<vmem_shared>> -> memref<80x144xf32, #tpu.memory_space<vmem_shared>>
        %dma_wait3A_41 = arith.constant 0 : i32
        %dma_wait3A_42 = tpu.memref_slice %arg15[%multiple_of3A_34, %dma_wait3A_41] : memref<10240x144xf32, #tpu.memory_space<vmem_shared>> -> memref<80x144xf32, #tpu.memory_space<vmem_shared>>
        tpu.wait_dma2 semaphore(%run_scoped3A : memref<!tpu.dma_semaphore, #tpu.memory_space<semaphore_mem>>) src(%arg9 : memref<80x144xf32, #tpu.memory_space<vmem>>) dst(%dma_wait3A_42 : memref<80x144xf32, #tpu.memory_space<vmem_shared>>)
        tpu.yield
      }) : () -> ()
    }
    %scan3A_5 = arith.constant 8 : i32
    %barrier3A = arith.constant 0 : index
    tpu.barrier barrier_id(%barrier3A)
    %mul3A_6 = arith.constant 10000 : i32
    %mul3A_7 = arith.muli %add3A, %mul3A_6 : i32
    %multiple_of3A = tpu.assume_multiple %mul3A_7, 8 : i32
    %add3A_8 = arith.constant 0 : i32
    %add3A_9 = arith.addi %multiple_of3A, %add3A_8 : i32
    %multiple_of3A_10 = tpu.assume_multiple %add3A_9, 8 : i32
    "tpu.region"() ({
      %run_scoped3A = tpu.sem_alloc : memref<!tpu.dma_semaphore, #tpu.memory_space<semaphore_mem>>
      %dma_start3A_28 = tpu.memref_slice %arg3[%multiple_of3A_10] : memref<320000xi32, #tpu.memory_space<hbm>> -> memref<80xi32, #tpu.memory_space<hbm>>
      %dma_start3A_29 = tpu.memref_slice %arg3[%multiple_of3A_10] : memref<320000xi32, #tpu.memory_space<hbm>> -> memref<80xi32, #tpu.memory_space<hbm>>
      tpu.enqueue_dma source(%dma_start3A_29 : memref<80xi32, #tpu.memory_space<hbm>>) target(%arg7 : memref<80xi32, #tpu.memory_space<vmem>>) target_semaphore(%run_scoped3A : memref<!tpu.dma_semaphore, #tpu.memory_space<semaphore_mem>>)
      %dma_wait3A_30 = tpu.memref_slice %arg3[%multiple_of3A_10] : memref<320000xi32, #tpu.memory_space<hbm>> -> memref<80xi32, #tpu.memory_space<hbm>>
      %dma_wait3A_31 = tpu.memref_slice %arg3[%multiple_of3A_10] : memref<320000xi32, #tpu.memory_space<hbm>> -> memref<80xi32, #tpu.memory_space<hbm>>
      tpu.wait_dma2 semaphore(%run_scoped3A : memref<!tpu.dma_semaphore, #tpu.memory_space<semaphore_mem>>) src(%dma_wait3A_31 : memref<80xi32, #tpu.memory_space<hbm>>) dst(%arg7 : memref<80xi32, #tpu.memory_space<vmem>>)
      tpu.yield
    }) : () -> ()
    "tpu.region"() ({
      %run_scoped3A = tpu.sem_alloc : memref<!tpu.dma_semaphore, #tpu.memory_space<semaphore_mem>>
      %dma_start3A_28 = tpu.memref_slice %arg4[%multiple_of3A_10] : memref<320000xi32, #tpu.memory_space<hbm>> -> memref<80xi32, #tpu.memory_space<hbm>>
      %dma_start3A_29 = tpu.memref_slice %arg4[%multiple_of3A_10] : memref<320000xi32, #tpu.memory_space<hbm>> -> memref<80xi32, #tpu.memory_space<hbm>>
      tpu.enqueue_dma source(%dma_start3A_29 : memref<80xi32, #tpu.memory_space<hbm>>) target(%arg8 : memref<80xi32, #tpu.memory_space<vmem>>) target_semaphore(%run_scoped3A : memref<!tpu.dma_semaphore, #tpu.memory_space<semaphore_mem>>)
      %dma_wait3A_30 = tpu.memref_slice %arg4[%multiple_of3A_10] : memref<320000xi32, #tpu.memory_space<hbm>> -> memref<80xi32, #tpu.memory_space<hbm>>
      %dma_wait3A_31 = tpu.memref_slice %arg4[%multiple_of3A_10] : memref<320000xi32, #tpu.memory_space<hbm>> -> memref<80xi32, #tpu.memory_space<hbm>>
      tpu.wait_dma2 semaphore(%run_scoped3A : memref<!tpu.dma_semaphore, #tpu.memory_space<semaphore_mem>>) src(%dma_wait3A_31 : memref<80xi32, #tpu.memory_space<hbm>>) dst(%arg8 : memref<80xi32, #tpu.memory_space<vmem>>)
      tpu.yield
    }) : () -> ()
    %dma_start3A = arith.constant 0 : i32
    %dma_start3A_11 = arith.constant 0 : i32
    %dma_start3A_12 = tpu.memref_slice %arg2[%dma_start3A, %dma_start3A_11] : memref<10000x144xf32, #tpu.memory_space<hbm>> -> memref<10000x144xf32, #tpu.memory_space<hbm>>
    tpu.enqueue_indirect_dma source(%dma_start3A_12 : memref<10000x144xf32, #tpu.memory_space<hbm>>) target(%arg9 : memref<80x144xf32, #tpu.memory_space<vmem>>) offsets(%arg7 : memref<80xi32, #tpu.memory_space<vmem>>) semaphore(%arg13 : memref<!tpu.dma_semaphore, #tpu.memory_space<semaphore_mem>>)
    %scan3A_13 = arith.constant 0 : i32
    %scan3A_14 = arith.constant 0 : i32
    %scan3A_15 = arith.constant 62 : i32
    %scan3A_16 = arith.addi %scan3A_14, %scan3A_15 : i32
    %scan3A_17 = arith.constant 1 : i32
    scf.for %scan3A_28 = %scan3A_14 to %scan3A_16 step %scan3A_17  : i32 {
      %mul3A_29 = arith.constant 2 : i32
      %mul3A_30 = arith.muli %mul3A_29, %scan3A_28 : i32
      %add3A_31 = arith.constant 1 : i32
      %add3A_32 = arith.addi %mul3A_30, %add3A_31 : i32
      %mul3A_33 = arith.constant 80 : i32
      %mul3A_34 = arith.muli %add3A_32, %mul3A_33 : i32
      %add3A_35 = arith.addi %multiple_of3A, %mul3A_34 : i32
      %multiple_of3A_36 = tpu.assume_multiple %add3A_35, 8 : i32
      "tpu.region"() ({
        %run_scoped3A = tpu.sem_alloc : memref<!tpu.dma_semaphore, #tpu.memory_space<semaphore_mem>>
        %dma_start3A_57 = tpu.memref_slice %arg3[%multiple_of3A_36] : memref<320000xi32, #tpu.memory_space<hbm>> -> memref<80xi32, #tpu.memory_space<hbm>>
        %dma_start3A_58 = tpu.memref_slice %arg3[%multiple_of3A_36] : memref<320000xi32, #tpu.memory_space<hbm>> -> memref<80xi32, #tpu.memory_space<hbm>>
        tpu.enqueue_dma source(%dma_start3A_58 : memref<80xi32, #tpu.memory_space<hbm>>) target(%arg10 : memref<80xi32, #tpu.memory_space<vmem>>) target_semaphore(%run_scoped3A : memref<!tpu.dma_semaphore, #tpu.memory_space<semaphore_mem>>)
        %dma_wait3A_59 = tpu.memref_slice %arg3[%multiple_of3A_36] : memref<320000xi32, #tpu.memory_space<hbm>> -> memref<80xi32, #tpu.memory_space<hbm>>
        %dma_wait3A_60 = tpu.memref_slice %arg3[%multiple_of3A_36] : memref<320000xi32, #tpu.memory_space<hbm>> -> memref<80xi32, #tpu.memory_space<hbm>>
        tpu.wait_dma2 semaphore(%run_scoped3A : memref<!tpu.dma_semaphore, #tpu.memory_space<semaphore_mem>>) src(%dma_wait3A_60 : memref<80xi32, #tpu.memory_space<hbm>>) dst(%arg10 : memref<80xi32, #tpu.memory_space<vmem>>)
        tpu.yield
      }) : () -> ()
      "tpu.region"() ({
        %run_scoped3A = tpu.sem_alloc : memref<!tpu.dma_semaphore, #tpu.memory_space<semaphore_mem>>
        %dma_start3A_57 = tpu.memref_slice %arg4[%multiple_of3A_36] : memref<320000xi32, #tpu.memory_space<hbm>> -> memref<80xi32, #tpu.memory_space<hbm>>
        %dma_start3A_58 = tpu.memref_slice %arg4[%multiple_of3A_36] : memref<320000xi32, #tpu.memory_space<hbm>> -> memref<80xi32, #tpu.memory_space<hbm>>
        tpu.enqueue_dma source(%dma_start3A_58 : memref<80xi32, #tpu.memory_space<hbm>>) target(%arg11 : memref<80xi32, #tpu.memory_space<vmem>>) target_semaphore(%run_scoped3A : memref<!tpu.dma_semaphore, #tpu.memory_space<semaphore_mem>>)
        %dma_wait3A_59 = tpu.memref_slice %arg4[%multiple_of3A_36] : memref<320000xi32, #tpu.memory_space<hbm>> -> memref<80xi32, #tpu.memory_space<hbm>>
        %dma_wait3A_60 = tpu.memref_slice %arg4[%multiple_of3A_36] : memref<320000xi32, #tpu.memory_space<hbm>> -> memref<80xi32, #tpu.memory_space<hbm>>
        tpu.wait_dma2 semaphore(%run_scoped3A : memref<!tpu.dma_semaphore, #tpu.memory_space<semaphore_mem>>) src(%dma_wait3A_60 : memref<80xi32, #tpu.memory_space<hbm>>) dst(%arg11 : memref<80xi32, #tpu.memory_space<vmem>>)
        tpu.yield
      }) : () -> ()
      %dma_start3A_37 = arith.constant 0 : i32
      %dma_start3A_38 = arith.constant 0 : i32
      %dma_start3A_39 = tpu.memref_slice %arg2[%dma_start3A_37, %dma_start3A_38] : memref<10000x144xf32, #tpu.memory_space<hbm>> -> memref<10000x144xf32, #tpu.memory_space<hbm>>
      tpu.enqueue_indirect_dma source(%dma_start3A_39 : memref<10000x144xf32, #tpu.memory_space<hbm>>) target(%arg12 : memref<80x144xf32, #tpu.memory_space<vmem>>) offsets(%arg10 : memref<80xi32, #tpu.memory_space<vmem>>) semaphore(%arg14 : memref<!tpu.dma_semaphore, #tpu.memory_space<semaphore_mem>>)
      %dma_wait3A_40 = arith.constant 0 : i32
      %dma_wait3A_41 = arith.constant 0 : i32
      %dma_wait3A_42 = tpu.memref_slice %arg2[%dma_wait3A_40, %dma_wait3A_41] : memref<10000x144xf32, #tpu.memory_space<hbm>> -> memref<10000x144xf32, #tpu.memory_space<hbm>>
      tpu.wait_indirect_dma semaphore(%arg13 : memref<!tpu.dma_semaphore, #tpu.memory_space<semaphore_mem>>) src(%dma_wait3A_42 : memref<10000x144xf32, #tpu.memory_space<hbm>>) dst(%arg9 : memref<80x144xf32, #tpu.memory_space<vmem>>)
      "tpu.region"() ({
        %run_scoped3A = tpu.sem_alloc : memref<!tpu.dma_semaphore, #tpu.memory_space<semaphore_mem>>
        %dma_start3A_57 = arith.constant 0 : i32
        %dma_start3A_58 = arith.constant 0 : i32
        %dma_start3A_59 = tpu.memref_slice %arg15[%dma_start3A_57, %dma_start3A_58] : memref<10240x144xf32, #tpu.memory_space<vmem_shared>> -> memref<10240x144xf32, #tpu.memory_space<vmem_shared>>
        tpu.enqueue_indirect_dma source(%arg9 : memref<80x144xf32, #tpu.memory_space<vmem>>) target(%dma_start3A_59 : memref<10240x144xf32, #tpu.memory_space<vmem_shared>>) offsets(%arg8 : memref<80xi32, #tpu.memory_space<vmem>>) semaphore(%run_scoped3A : memref<!tpu.dma_semaphore, #tpu.memory_space<semaphore_mem>>) {add = true}
        %dma_wait3A_60 = arith.constant 0 : i32
        %dma_wait3A_61 = arith.constant 0 : i32
        %dma_wait3A_62 = tpu.memref_slice %arg15[%dma_wait3A_60, %dma_wait3A_61] : memref<10240x144xf32, #tpu.memory_space<vmem_shared>> -> memref<10240x144xf32, #tpu.memory_space<vmem_shared>>
        tpu.wait_indirect_dma semaphore(%run_scoped3A : memref<!tpu.dma_semaphore, #tpu.memory_space<semaphore_mem>>) src(%arg9 : memref<80x144xf32, #tpu.memory_space<vmem>>) dst(%dma_wait3A_62 : memref<10240x144xf32, #tpu.memory_space<vmem_shared>>)
        tpu.yield
      }) : () -> ()
      %mul3A_43 = arith.constant 2 : i32
      %mul3A_44 = arith.muli %mul3A_43, %scan3A_28 : i32
      %add3A_45 = arith.constant 2 : i32
      %add3A_46 = arith.addi %mul3A_44, %add3A_45 : i32
      %mul3A_47 = arith.constant 80 : i32
      %mul3A_48 = arith.muli %add3A_46, %mul3A_47 : i32
      %add3A_49 = arith.addi %multiple_of3A, %mul3A_48 : i32
      %multiple_of3A_50 = tpu.assume_multiple %add3A_49, 8 : i32
      "tpu.region"() ({
        %run_scoped3A = tpu.sem_alloc : memref<!tpu.dma_semaphore, #tpu.memory_space<semaphore_mem>>
        %dma_start3A_57 = tpu.memref_slice %arg3[%multiple_of3A_50] : memref<320000xi32, #tpu.memory_space<hbm>> -> memref<80xi32, #tpu.memory_space<hbm>>
        %dma_start3A_58 = tpu.memref_slice %arg3[%multiple_of3A_50] : memref<320000xi32, #tpu.memory_space<hbm>> -> memref<80xi32, #tpu.memory_space<hbm>>
        tpu.enqueue_dma source(%dma_start3A_58 : memref<80xi32, #tpu.memory_space<hbm>>) target(%arg7 : memref<80xi32, #tpu.memory_space<vmem>>) target_semaphore(%run_scoped3A : memref<!tpu.dma_semaphore, #tpu.memory_space<semaphore_mem>>)
        %dma_wait3A_59 = tpu.memref_slice %arg3[%multiple_of3A_50] : memref<320000xi32, #tpu.memory_space<hbm>> -> memref<80xi32, #tpu.memory_space<hbm>>
        %dma_wait3A_60 = tpu.memref_slice %arg3[%multiple_of3A_50] : memref<320000xi32, #tpu.memory_space<hbm>> -> memref<80xi32, #tpu.memory_space<hbm>>
        tpu.wait_dma2 semaphore(%run_scoped3A : memref<!tpu.dma_semaphore, #tpu.memory_space<semaphore_mem>>) src(%dma_wait3A_60 : memref<80xi32, #tpu.memory_space<hbm>>) dst(%arg7 : memref<80xi32, #tpu.memory_space<vmem>>)
        tpu.yield
      }) : () -> ()
      "tpu.region"() ({
        %run_scoped3A = tpu.sem_alloc : memref<!tpu.dma_semaphore, #tpu.memory_space<semaphore_mem>>
        %dma_start3A_57 = tpu.memref_slice %arg4[%multiple_of3A_50] : memref<320000xi32, #tpu.memory_space<hbm>> -> memref<80xi32, #tpu.memory_space<hbm>>
        %dma_start3A_58 = tpu.memref_slice %arg4[%multiple_of3A_50] : memref<320000xi32, #tpu.memory_space<hbm>> -> memref<80xi32, #tpu.memory_space<hbm>>
        tpu.enqueue_dma source(%dma_start3A_58 : memref<80xi32, #tpu.memory_space<hbm>>) target(%arg8 : memref<80xi32, #tpu.memory_space<vmem>>) target_semaphore(%run_scoped3A : memref<!tpu.dma_semaphore, #tpu.memory_space<semaphore_mem>>)
        %dma_wait3A_59 = tpu.memref_slice %arg4[%multiple_of3A_50] : memref<320000xi32, #tpu.memory_space<hbm>> -> memref<80xi32, #tpu.memory_space<hbm>>
        %dma_wait3A_60 = tpu.memref_slice %arg4[%multiple_of3A_50] : memref<320000xi32, #tpu.memory_space<hbm>> -> memref<80xi32, #tpu.memory_space<hbm>>
        tpu.wait_dma2 semaphore(%run_scoped3A : memref<!tpu.dma_semaphore, #tpu.memory_space<semaphore_mem>>) src(%dma_wait3A_60 : memref<80xi32, #tpu.memory_space<hbm>>) dst(%arg8 : memref<80xi32, #tpu.memory_space<vmem>>)
        tpu.yield
      }) : () -> ()
      %dma_start3A_51 = arith.constant 0 : i32
      %dma_start3A_52 = arith.constant 0 : i32
      %dma_start3A_53 = tpu.memref_slice %arg2[%dma_start3A_51, %dma_start3A_52] : memref<10000x144xf32, #tpu.memory_space<hbm>> -> memref<10000x144xf32, #tpu.memory_space<hbm>>
      tpu.enqueue_indirect_dma source(%dma_start3A_53 : memref<10000x144xf32, #tpu.memory_space<hbm>>) target(%arg9 : memref<80x144xf32, #tpu.memory_space<vmem>>) offsets(%arg7 : memref<80xi32, #tpu.memory_space<vmem>>) semaphore(%arg13 : memref<!tpu.dma_semaphore, #tpu.memory_space<semaphore_mem>>)
      %dma_wait3A_54 = arith.constant 0 : i32
      %dma_wait3A_55 = arith.constant 0 : i32
      %dma_wait3A_56 = tpu.memref_slice %arg2[%dma_wait3A_54, %dma_wait3A_55] : memref<10000x144xf32, #tpu.memory_space<hbm>> -> memref<10000x144xf32, #tpu.memory_space<hbm>>
      tpu.wait_indirect_dma semaphore(%arg14 : memref<!tpu.dma_semaphore, #tpu.memory_space<semaphore_mem>>) src(%dma_wait3A_56 : memref<10000x144xf32, #tpu.memory_space<hbm>>) dst(%arg12 : memref<80x144xf32, #tpu.memory_space<vmem>>)
      "tpu.region"() ({
        %run_scoped3A = tpu.sem_alloc : memref<!tpu.dma_semaphore, #tpu.memory_space<semaphore_mem>>
        %dma_start3A_57 = arith.constant 0 : i32
        %dma_start3A_58 = arith.constant 0 : i32
        %dma_start3A_59 = tpu.memref_slice %arg15[%dma_start3A_57, %dma_start3A_58] : memref<10240x144xf32, #tpu.memory_space<vmem_shared>> -> memref<10240x144xf32, #tpu.memory_space<vmem_shared>>
        tpu.enqueue_indirect_dma source(%arg12 : memref<80x144xf32, #tpu.memory_space<vmem>>) target(%dma_start3A_59 : memref<10240x144xf32, #tpu.memory_space<vmem_shared>>) offsets(%arg11 : memref<80xi32, #tpu.memory_space<vmem>>) semaphore(%run_scoped3A : memref<!tpu.dma_semaphore, #tpu.memory_space<semaphore_mem>>) {add = true}
        %dma_wait3A_60 = arith.constant 0 : i32
        %dma_wait3A_61 = arith.constant 0 : i32
        %dma_wait3A_62 = tpu.memref_slice %arg15[%dma_wait3A_60, %dma_wait3A_61] : memref<10240x144xf32, #tpu.memory_space<vmem_shared>> -> memref<10240x144xf32, #tpu.memory_space<vmem_shared>>
        tpu.wait_indirect_dma semaphore(%run_scoped3A : memref<!tpu.dma_semaphore, #tpu.memory_space<semaphore_mem>>) src(%arg12 : memref<80x144xf32, #tpu.memory_space<vmem>>) dst(%dma_wait3A_62 : memref<10240x144xf32, #tpu.memory_space<vmem_shared>>)
        tpu.yield
      }) : () -> ()
    }
    %scan3A_18 = arith.constant 62 : i32
    %dma_wait3A = arith.constant 0 : i32
    %dma_wait3A_19 = arith.constant 0 : i32
    %dma_wait3A_20 = tpu.memref_slice %arg2[%dma_wait3A, %dma_wait3A_19] : memref<10000x144xf32, #tpu.memory_space<hbm>> -> memref<10000x144xf32, #tpu.memory_space<hbm>>
    tpu.wait_indirect_dma semaphore(%arg13 : memref<!tpu.dma_semaphore, #tpu.memory_space<semaphore_mem>>) src(%dma_wait3A_20 : memref<10000x144xf32, #tpu.memory_space<hbm>>) dst(%arg9 : memref<80x144xf32, #tpu.memory_space<vmem>>)
    "tpu.region"() ({
      %run_scoped3A = tpu.sem_alloc : memref<!tpu.dma_semaphore, #tpu.memory_space<semaphore_mem>>
      %dma_start3A_28 = arith.constant 0 : i32
      %dma_start3A_29 = arith.constant 0 : i32
      %dma_start3A_30 = tpu.memref_slice %arg15[%dma_start3A_28, %dma_start3A_29] : memref<10240x144xf32, #tpu.memory_space<vmem_shared>> -> memref<10240x144xf32, #tpu.memory_space<vmem_shared>>
      tpu.enqueue_indirect_dma source(%arg9 : memref<80x144xf32, #tpu.memory_space<vmem>>) target(%dma_start3A_30 : memref<10240x144xf32, #tpu.memory_space<vmem_shared>>) offsets(%arg8 : memref<80xi32, #tpu.memory_space<vmem>>) semaphore(%run_scoped3A : memref<!tpu.dma_semaphore, #tpu.memory_space<semaphore_mem>>) {add = true}
      %dma_wait3A_31 = arith.constant 0 : i32
      %dma_wait3A_32 = arith.constant 0 : i32
      %dma_wait3A_33 = tpu.memref_slice %arg15[%dma_wait3A_31, %dma_wait3A_32] : memref<10240x144xf32, #tpu.memory_space<vmem_shared>> -> memref<10240x144xf32, #tpu.memory_space<vmem_shared>>
      tpu.wait_indirect_dma semaphore(%run_scoped3A : memref<!tpu.dma_semaphore, #tpu.memory_space<semaphore_mem>>) src(%arg9 : memref<80x144xf32, #tpu.memory_space<vmem>>) dst(%dma_wait3A_33 : memref<10240x144xf32, #tpu.memory_space<vmem_shared>>)
      tpu.yield
    }) : () -> ()
    %barrier3A_21 = arith.constant 0 : index
    tpu.barrier barrier_id(%barrier3A_21)
    %scan3A_22 = arith.constant 0 : i32
    %scan3A_23 = arith.constant 0 : i32
    %scan3A_24 = arith.constant 8 : i32
    %scan3A_25 = arith.addi %scan3A_23, %scan3A_24 : i32
    %scan3A_26 = arith.constant 1 : i32
    scf.for %scan3A_28 = %scan3A_23 to %scan3A_25 step %scan3A_26  : i32 {
      %mul3A_29 = arith.constant 640 : i32
      %mul3A_30 = arith.muli %arg1, %mul3A_29 : i32
      %mul3A_31 = arith.constant 80 : i32
      %mul3A_32 = arith.muli %scan3A_28, %mul3A_31 : i32
      %add3A_33 = arith.addi %mul3A_30, %mul3A_32 : i32
      %multiple_of3A_34 = tpu.assume_multiple %add3A_33, 8 : i32
      "tpu.region"() ({
        %run_scoped3A = tpu.sem_alloc : memref<!tpu.dma_semaphore, #tpu.memory_space<semaphore_mem>>
        %dma_start3A_38 = arith.constant 0 : i32
        %dma_start3A_39 = tpu.memref_slice %arg15[%multiple_of3A_34, %dma_start3A_38] : memref<10240x144xf32, #tpu.memory_space<vmem_shared>> -> memref<80x144xf32, #tpu.memory_space<vmem_shared>>
        %dma_start3A_40 = arith.constant 0 : i32
        %dma_start3A_41 = tpu.memref_slice %arg15[%multiple_of3A_34, %dma_start3A_40] : memref<10240x144xf32, #tpu.memory_space<vmem_shared>> -> memref<80x144xf32, #tpu.memory_space<vmem_shared>>
        tpu.enqueue_dma source(%dma_start3A_41 : memref<80x144xf32, #tpu.memory_space<vmem_shared>>) target(%arg9 : memref<80x144xf32, #tpu.memory_space<vmem>>) target_semaphore(%run_scoped3A : memref<!tpu.dma_semaphore, #tpu.memory_space<semaphore_mem>>)
        %dma_wait3A_42 = arith.constant 0 : i32
        %dma_wait3A_43 = tpu.memref_slice %arg15[%multiple_of3A_34, %dma_wait3A_42] : memref<10240x144xf32, #tpu.memory_space<vmem_shared>> -> memref<80x144xf32, #tpu.memory_space<vmem_shared>>
        %dma_wait3A_44 = arith.constant 0 : i32
        %dma_wait3A_45 = tpu.memref_slice %arg15[%multiple_of3A_34, %dma_wait3A_44] : memref<10240x144xf32, #tpu.memory_space<vmem_shared>> -> memref<80x144xf32, #tpu.memory_space<vmem_shared>>
        tpu.wait_dma2 semaphore(%run_scoped3A : memref<!tpu.dma_semaphore, #tpu.memory_space<semaphore_mem>>) src(%dma_wait3A_45 : memref<80x144xf32, #tpu.memory_space<vmem_shared>>) dst(%arg9 : memref<80x144xf32, #tpu.memory_space<vmem>>)
        tpu.yield
      }) : () -> ()
      %mul3A_35 = arith.constant 10240 : i32
      %mul3A_36 = arith.muli %arg0, %mul3A_35 : i32
      %add3A_37 = arith.addi %mul3A_36, %multiple_of3A_34 : i32
      "tpu.region"() ({
        %run_scoped3A = tpu.sem_alloc : memref<!tpu.dma_semaphore, #tpu.memory_space<semaphore_mem>>
        %dma_start3A_38 = arith.constant 0 : i32
        %dma_start3A_39 = tpu.memref_slice %arg6[%add3A_37, %dma_start3A_38] : memref<20480x144xf32, #tpu.memory_space<hbm>> -> memref<80x144xf32, #tpu.memory_space<hbm>>
        %dma_start3A_40 = arith.constant 0 : i32
        %dma_start3A_41 = tpu.memref_slice %arg6[%add3A_37, %dma_start3A_40] : memref<20480x144xf32, #tpu.memory_space<hbm>> -> memref<80x144xf32, #tpu.memory_space<hbm>>
        tpu.enqueue_dma source(%arg9 : memref<80x144xf32, #tpu.memory_space<vmem>>) target(%dma_start3A_41 : memref<80x144xf32, #tpu.memory_space<hbm>>) target_semaphore(%run_scoped3A : memref<!tpu.dma_semaphore, #tpu.memory_space<semaphore_mem>>)
        %dma_wait3A_42 = arith.constant 0 : i32
        %dma_wait3A_43 = tpu.memref_slice %arg6[%add3A_37, %dma_wait3A_42] : memref<20480x144xf32, #tpu.memory_space<hbm>> -> memref<80x144xf32, #tpu.memory_space<hbm>>
        %dma_wait3A_44 = arith.constant 0 : i32
        %dma_wait3A_45 = tpu.memref_slice %arg6[%add3A_37, %dma_wait3A_44] : memref<20480x144xf32, #tpu.memory_space<hbm>> -> memref<80x144xf32, #tpu.memory_space<hbm>>
        tpu.wait_dma2 semaphore(%run_scoped3A : memref<!tpu.dma_semaphore, #tpu.memory_space<semaphore_mem>>) src(%arg9 : memref<80x144xf32, #tpu.memory_space<vmem>>) dst(%dma_wait3A_45 : memref<80x144xf32, #tpu.memory_space<hbm>>)
        tpu.yield
      }) : () -> ()
    }
    %scan3A_27 = arith.constant 8 : i32
    return
  }
}

#map = affine_map<(d0, d1) -> (0, 0)>
#map1 = affine_map<(d0, d1) -> (0)>
module attributes {stable_mosaic.version = 14 : i64} {
  func.func @_sc_body(%arg0: i32, %arg1: i32, %arg2: memref<10000x144xf32, #tpu.memory_space<hbm>>, %arg3: memref<320000xi32, #tpu.memory_space<hbm>>, %arg4: memref<320000xi32, #tpu.memory_space<hbm>>, %arg5: memref<80x144xf32, #tpu.memory_space<hbm>>, %arg6: memref<20480x144xf32, #tpu.memory_space<hbm>>, %arg7: memref<80xi32, #tpu.memory_space<vmem>>, %arg8: memref<80xi32, #tpu.memory_space<vmem>>, %arg9: memref<80x144xf32, #tpu.memory_space<vmem>>, %arg10: memref<80xi32, #tpu.memory_space<vmem>>, %arg11: memref<80xi32, #tpu.memory_space<vmem>>, %arg12: memref<80x144xf32, #tpu.memory_space<vmem>>, %arg13: memref<!tpu.dma_semaphore, #tpu.memory_space<semaphore_mem>>, %arg14: memref<!tpu.dma_semaphore, #tpu.memory_space<semaphore_mem>>, %arg15: memref<10240x144xf32, #tpu.memory_space<vmem_shared>>) attributes {dimension_semantics = [#tpu.dimension_semantics<core_parallel>, #tpu.dimension_semantics<subcore_parallel>], iteration_bounds = array<i64: 2, 16>, scalar_prefetch = 0 : i64, scratch_operands = 9 : i64, tpu.core_type = #tpu.core_type<sc_vector_subcore>, window_params = [{transform_indices = #map}, {transform_indices = #map1}, {transform_indices = #map1}, {transform_indices = #map}, {transform_indices = #map}]} {
    %mul3A = arith.constant 16 : i32
    %mul3A_0 = arith.muli %arg0, %mul3A : i32
    %add3A = arith.addi %mul3A_0, %arg1 : i32
    "tpu.region"() ({
      %run_scoped3A = tpu.sem_alloc : memref<!tpu.dma_semaphore, #tpu.memory_space<semaphore_mem>>
      tpu.enqueue_dma source(%arg5 : memref<80x144xf32, #tpu.memory_space<hbm>>) target(%arg9 : memref<80x144xf32, #tpu.memory_space<vmem>>) target_semaphore(%run_scoped3A : memref<!tpu.dma_semaphore, #tpu.memory_space<semaphore_mem>>)
      tpu.wait_dma2 semaphore(%run_scoped3A : memref<!tpu.dma_semaphore, #tpu.memory_space<semaphore_mem>>) src(%arg5 : memref<80x144xf32, #tpu.memory_space<hbm>>) dst(%arg9 : memref<80x144xf32, #tpu.memory_space<vmem>>)
      tpu.yield
    }) : () -> ()
    %scan3A = arith.constant 0 : i32
    %scan3A_1 = arith.constant 0 : i32
    %scan3A_2 = arith.constant 8 : i32
    %scan3A_3 = arith.addi %scan3A_1, %scan3A_2 : i32
    %scan3A_4 = arith.constant 1 : i32
    scf.for %scan3A_28 = %scan3A_1 to %scan3A_3 step %scan3A_4  : i32 {
      %mul3A_29 = arith.constant 640 : i32
      %mul3A_30 = arith.muli %arg1, %mul3A_29 : i32
      %mul3A_31 = arith.constant 80 : i32
      %mul3A_32 = arith.muli %scan3A_28, %mul3A_31 : i32
      %add3A_33 = arith.addi %mul3A_30, %mul3A_32 : i32
      %multiple_of3A_34 = tpu.assume_multiple %add3A_33, 8 : i32
      "tpu.region"() ({
        %run_scoped3A = tpu.sem_alloc : memref<!tpu.dma_semaphore, #tpu.memory_space<semaphore_mem>>
        %dma_start3A_35 = arith.constant 0 : i32
        %dma_start3A_36 = tpu.memref_slice %arg15[%multiple_of3A_34, %dma_start3A_35] : memref<10240x144xf32, #tpu.memory_space<vmem_shared>> -> memref<80x144xf32, #tpu.memory_space<vmem_shared>>
        %dma_start3A_37 = arith.constant 0 : i32
        %dma_start3A_38 = tpu.memref_slice %arg15[%multiple_of3A_34, %dma_start3A_37] : memref<10240x144xf32, #tpu.memory_space<vmem_shared>> -> memref<80x144xf32, #tpu.memory_space<vmem_shared>>
        tpu.enqueue_dma source(%arg9 : memref<80x144xf32, #tpu.memory_space<vmem>>) target(%dma_start3A_38 : memref<80x144xf32, #tpu.memory_space<vmem_shared>>) target_semaphore(%run_scoped3A : memref<!tpu.dma_semaphore, #tpu.memory_space<semaphore_mem>>)
        %dma_wait3A_39 = arith.constant 0 : i32
        %dma_wait3A_40 = tpu.memref_slice %arg15[%multiple_of3A_34, %dma_wait3A_39] : memref<10240x144xf32, #tpu.memory_space<vmem_shared>> -> memref<80x144xf32, #tpu.memory_space<vmem_shared>>
        %dma_wait3A_41 = arith.constant 0 : i32
        %dma_wait3A_42 = tpu.memref_slice %arg15[%multiple_of3A_34, %dma_wait3A_41] : memref<10240x144xf32, #tpu.memory_space<vmem_shared>> -> memref<80x144xf32, #tpu.memory_space<vmem_shared>>
        tpu.wait_dma2 semaphore(%run_scoped3A : memref<!tpu.dma_semaphore, #tpu.memory_space<semaphore_mem>>) src(%arg9 : memref<80x144xf32, #tpu.memory_space<vmem>>) dst(%dma_wait3A_42 : memref<80x144xf32, #tpu.memory_space<vmem_shared>>)
        tpu.yield
      }) : () -> ()
    }
    %scan3A_5 = arith.constant 8 : i32
    %barrier3A = arith.constant 0 : index
    tpu.barrier barrier_id(%barrier3A)
    %mul3A_6 = arith.constant 10000 : i32
    %mul3A_7 = arith.muli %add3A, %mul3A_6 : i32
    %multiple_of3A = tpu.assume_multiple %mul3A_7, 8 : i32
    %add3A_8 = arith.constant 0 : i32
    %add3A_9 = arith.addi %multiple_of3A, %add3A_8 : i32
    %multiple_of3A_10 = tpu.assume_multiple %add3A_9, 8 : i32
    "tpu.region"() ({
      %run_scoped3A = tpu.sem_alloc : memref<!tpu.dma_semaphore, #tpu.memory_space<semaphore_mem>>
      %dma_start3A_28 = tpu.memref_slice %arg3[%multiple_of3A_10] : memref<320000xi32, #tpu.memory_space<hbm>> -> memref<80xi32, #tpu.memory_space<hbm>>
      %dma_start3A_29 = tpu.memref_slice %arg3[%multiple_of3A_10] : memref<320000xi32, #tpu.memory_space<hbm>> -> memref<80xi32, #tpu.memory_space<hbm>>
      tpu.enqueue_dma source(%dma_start3A_29 : memref<80xi32, #tpu.memory_space<hbm>>) target(%arg7 : memref<80xi32, #tpu.memory_space<vmem>>) target_semaphore(%run_scoped3A : memref<!tpu.dma_semaphore, #tpu.memory_space<semaphore_mem>>)
      %dma_wait3A_30 = tpu.memref_slice %arg3[%multiple_of3A_10] : memref<320000xi32, #tpu.memory_space<hbm>> -> memref<80xi32, #tpu.memory_space<hbm>>
      %dma_wait3A_31 = tpu.memref_slice %arg3[%multiple_of3A_10] : memref<320000xi32, #tpu.memory_space<hbm>> -> memref<80xi32, #tpu.memory_space<hbm>>
      tpu.wait_dma2 semaphore(%run_scoped3A : memref<!tpu.dma_semaphore, #tpu.memory_space<semaphore_mem>>) src(%dma_wait3A_31 : memref<80xi32, #tpu.memory_space<hbm>>) dst(%arg7 : memref<80xi32, #tpu.memory_space<vmem>>)
      tpu.yield
    }) : () -> ()
    "tpu.region"() ({
      %run_scoped3A = tpu.sem_alloc : memref<!tpu.dma_semaphore, #tpu.memory_space<semaphore_mem>>
      %dma_start3A_28 = tpu.memref_slice %arg4[%multiple_of3A_10] : memref<320000xi32, #tpu.memory_space<hbm>> -> memref<80xi32, #tpu.memory_space<hbm>>
      %dma_start3A_29 = tpu.memref_slice %arg4[%multiple_of3A_10] : memref<320000xi32, #tpu.memory_space<hbm>> -> memref<80xi32, #tpu.memory_space<hbm>>
      tpu.enqueue_dma source(%dma_start3A_29 : memref<80xi32, #tpu.memory_space<hbm>>) target(%arg8 : memref<80xi32, #tpu.memory_space<vmem>>) target_semaphore(%run_scoped3A : memref<!tpu.dma_semaphore, #tpu.memory_space<semaphore_mem>>)
      %dma_wait3A_30 = tpu.memref_slice %arg4[%multiple_of3A_10] : memref<320000xi32, #tpu.memory_space<hbm>> -> memref<80xi32, #tpu.memory_space<hbm>>
      %dma_wait3A_31 = tpu.memref_slice %arg4[%multiple_of3A_10] : memref<320000xi32, #tpu.memory_space<hbm>> -> memref<80xi32, #tpu.memory_space<hbm>>
      tpu.wait_dma2 semaphore(%run_scoped3A : memref<!tpu.dma_semaphore, #tpu.memory_space<semaphore_mem>>) src(%dma_wait3A_31 : memref<80xi32, #tpu.memory_space<hbm>>) dst(%arg8 : memref<80xi32, #tpu.memory_space<vmem>>)
      tpu.yield
    }) : () -> ()
    %dma_start3A = arith.constant 0 : i32
    %dma_start3A_11 = arith.constant 0 : i32
    %dma_start3A_12 = tpu.memref_slice %arg2[%dma_start3A, %dma_start3A_11] : memref<10000x144xf32, #tpu.memory_space<hbm>> -> memref<10000x144xf32, #tpu.memory_space<hbm>>
    tpu.enqueue_indirect_dma source(%dma_start3A_12 : memref<10000x144xf32, #tpu.memory_space<hbm>>) target(%arg9 : memref<80x144xf32, #tpu.memory_space<vmem>>) offsets(%arg7 : memref<80xi32, #tpu.memory_space<vmem>>) semaphore(%arg13 : memref<!tpu.dma_semaphore, #tpu.memory_space<semaphore_mem>>)
    %scan3A_13 = arith.constant 0 : i32
    %scan3A_14 = arith.constant 0 : i32
    %scan3A_15 = arith.constant 62 : i32
    %scan3A_16 = arith.addi %scan3A_14, %scan3A_15 : i32
    %scan3A_17 = arith.constant 1 : i32
    scf.for %scan3A_28 = %scan3A_14 to %scan3A_16 step %scan3A_17  : i32 {
      %mul3A_29 = arith.constant 2 : i32
      %mul3A_30 = arith.muli %mul3A_29, %scan3A_28 : i32
      %add3A_31 = arith.constant 1 : i32
      %add3A_32 = arith.addi %mul3A_30, %add3A_31 : i32
      %mul3A_33 = arith.constant 80 : i32
      %mul3A_34 = arith.muli %add3A_32, %mul3A_33 : i32
      %add3A_35 = arith.addi %multiple_of3A, %mul3A_34 : i32
      %multiple_of3A_36 = tpu.assume_multiple %add3A_35, 8 : i32
      "tpu.region"() ({
        %run_scoped3A = tpu.sem_alloc : memref<!tpu.dma_semaphore, #tpu.memory_space<semaphore_mem>>
        %dma_start3A_57 = tpu.memref_slice %arg3[%multiple_of3A_36] : memref<320000xi32, #tpu.memory_space<hbm>> -> memref<80xi32, #tpu.memory_space<hbm>>
        %dma_start3A_58 = tpu.memref_slice %arg3[%multiple_of3A_36] : memref<320000xi32, #tpu.memory_space<hbm>> -> memref<80xi32, #tpu.memory_space<hbm>>
        tpu.enqueue_dma source(%dma_start3A_58 : memref<80xi32, #tpu.memory_space<hbm>>) target(%arg10 : memref<80xi32, #tpu.memory_space<vmem>>) target_semaphore(%run_scoped3A : memref<!tpu.dma_semaphore, #tpu.memory_space<semaphore_mem>>)
        %dma_wait3A_59 = tpu.memref_slice %arg3[%multiple_of3A_36] : memref<320000xi32, #tpu.memory_space<hbm>> -> memref<80xi32, #tpu.memory_space<hbm>>
        %dma_wait3A_60 = tpu.memref_slice %arg3[%multiple_of3A_36] : memref<320000xi32, #tpu.memory_space<hbm>> -> memref<80xi32, #tpu.memory_space<hbm>>
        tpu.wait_dma2 semaphore(%run_scoped3A : memref<!tpu.dma_semaphore, #tpu.memory_space<semaphore_mem>>) src(%dma_wait3A_60 : memref<80xi32, #tpu.memory_space<hbm>>) dst(%arg10 : memref<80xi32, #tpu.memory_space<vmem>>)
        tpu.yield
      }) : () -> ()
      "tpu.region"() ({
        %run_scoped3A = tpu.sem_alloc : memref<!tpu.dma_semaphore, #tpu.memory_space<semaphore_mem>>
        %dma_start3A_57 = tpu.memref_slice %arg4[%multiple_of3A_36] : memref<320000xi32, #tpu.memory_space<hbm>> -> memref<80xi32, #tpu.memory_space<hbm>>
        %dma_start3A_58 = tpu.memref_slice %arg4[%multiple_of3A_36] : memref<320000xi32, #tpu.memory_space<hbm>> -> memref<80xi32, #tpu.memory_space<hbm>>
        tpu.enqueue_dma source(%dma_start3A_58 : memref<80xi32, #tpu.memory_space<hbm>>) target(%arg11 : memref<80xi32, #tpu.memory_space<vmem>>) target_semaphore(%run_scoped3A : memref<!tpu.dma_semaphore, #tpu.memory_space<semaphore_mem>>)
        %dma_wait3A_59 = tpu.memref_slice %arg4[%multiple_of3A_36] : memref<320000xi32, #tpu.memory_space<hbm>> -> memref<80xi32, #tpu.memory_space<hbm>>
        %dma_wait3A_60 = tpu.memref_slice %arg4[%multiple_of3A_36] : memref<320000xi32, #tpu.memory_space<hbm>> -> memref<80xi32, #tpu.memory_space<hbm>>
        tpu.wait_dma2 semaphore(%run_scoped3A : memref<!tpu.dma_semaphore, #tpu.memory_space<semaphore_mem>>) src(%dma_wait3A_60 : memref<80xi32, #tpu.memory_space<hbm>>) dst(%arg11 : memref<80xi32, #tpu.memory_space<vmem>>)
        tpu.yield
      }) : () -> ()
      %dma_start3A_37 = arith.constant 0 : i32
      %dma_start3A_38 = arith.constant 0 : i32
      %dma_start3A_39 = tpu.memref_slice %arg2[%dma_start3A_37, %dma_start3A_38] : memref<10000x144xf32, #tpu.memory_space<hbm>> -> memref<10000x144xf32, #tpu.memory_space<hbm>>
      tpu.enqueue_indirect_dma source(%dma_start3A_39 : memref<10000x144xf32, #tpu.memory_space<hbm>>) target(%arg12 : memref<80x144xf32, #tpu.memory_space<vmem>>) offsets(%arg10 : memref<80xi32, #tpu.memory_space<vmem>>) semaphore(%arg14 : memref<!tpu.dma_semaphore, #tpu.memory_space<semaphore_mem>>)
      %dma_wait3A_40 = arith.constant 0 : i32
      %dma_wait3A_41 = arith.constant 0 : i32
      %dma_wait3A_42 = tpu.memref_slice %arg2[%dma_wait3A_40, %dma_wait3A_41] : memref<10000x144xf32, #tpu.memory_space<hbm>> -> memref<10000x144xf32, #tpu.memory_space<hbm>>
      tpu.wait_indirect_dma semaphore(%arg13 : memref<!tpu.dma_semaphore, #tpu.memory_space<semaphore_mem>>) src(%dma_wait3A_42 : memref<10000x144xf32, #tpu.memory_space<hbm>>) dst(%arg9 : memref<80x144xf32, #tpu.memory_space<vmem>>)
      "tpu.region"() ({
        %run_scoped3A = tpu.sem_alloc : memref<!tpu.dma_semaphore, #tpu.memory_space<semaphore_mem>>
        %dma_start3A_57 = arith.constant 0 : i32
        %dma_start3A_58 = arith.constant 0 : i32
        %dma_start3A_59 = tpu.memref_slice %arg15[%dma_start3A_57, %dma_start3A_58] : memref<10240x144xf32, #tpu.memory_space<vmem_shared>> -> memref<10240x144xf32, #tpu.memory_space<vmem_shared>>
        tpu.enqueue_indirect_dma source(%arg9 : memref<80x144xf32, #tpu.memory_space<vmem>>) target(%dma_start3A_59 : memref<10240x144xf32, #tpu.memory_space<vmem_shared>>) offsets(%arg8 : memref<80xi32, #tpu.memory_space<vmem>>) semaphore(%run_scoped3A : memref<!tpu.dma_semaphore, #tpu.memory_space<semaphore_mem>>) {add = true}
        %dma_wait3A_60 = arith.constant 0 : i32
        %dma_wait3A_61 = arith.constant 0 : i32
        %dma_wait3A_62 = tpu.memref_slice %arg15[%dma_wait3A_60, %dma_wait3A_61] : memref<10240x144xf32, #tpu.memory_space<vmem_shared>> -> memref<10240x144xf32, #tpu.memory_space<vmem_shared>>
        tpu.wait_indirect_dma semaphore(%run_scoped3A : memref<!tpu.dma_semaphore, #tpu.memory_space<semaphore_mem>>) src(%arg9 : memref<80x144xf32, #tpu.memory_space<vmem>>) dst(%dma_wait3A_62 : memref<10240x144xf32, #tpu.memory_space<vmem_shared>>)
        tpu.yield
      }) : () -> ()
      %mul3A_43 = arith.constant 2 : i32
      %mul3A_44 = arith.muli %mul3A_43, %scan3A_28 : i32
      %add3A_45 = arith.constant 2 : i32
      %add3A_46 = arith.addi %mul3A_44, %add3A_45 : i32
      %mul3A_47 = arith.constant 80 : i32
      %mul3A_48 = arith.muli %add3A_46, %mul3A_47 : i32
      %add3A_49 = arith.addi %multiple_of3A, %mul3A_48 : i32
      %multiple_of3A_50 = tpu.assume_multiple %add3A_49, 8 : i32
      "tpu.region"() ({
        %run_scoped3A = tpu.sem_alloc : memref<!tpu.dma_semaphore, #tpu.memory_space<semaphore_mem>>
        %dma_start3A_57 = tpu.memref_slice %arg3[%multiple_of3A_50] : memref<320000xi32, #tpu.memory_space<hbm>> -> memref<80xi32, #tpu.memory_space<hbm>>
        %dma_start3A_58 = tpu.memref_slice %arg3[%multiple_of3A_50] : memref<320000xi32, #tpu.memory_space<hbm>> -> memref<80xi32, #tpu.memory_space<hbm>>
        tpu.enqueue_dma source(%dma_start3A_58 : memref<80xi32, #tpu.memory_space<hbm>>) target(%arg7 : memref<80xi32, #tpu.memory_space<vmem>>) target_semaphore(%run_scoped3A : memref<!tpu.dma_semaphore, #tpu.memory_space<semaphore_mem>>)
        %dma_wait3A_59 = tpu.memref_slice %arg3[%multiple_of3A_50] : memref<320000xi32, #tpu.memory_space<hbm>> -> memref<80xi32, #tpu.memory_space<hbm>>
        %dma_wait3A_60 = tpu.memref_slice %arg3[%multiple_of3A_50] : memref<320000xi32, #tpu.memory_space<hbm>> -> memref<80xi32, #tpu.memory_space<hbm>>
        tpu.wait_dma2 semaphore(%run_scoped3A : memref<!tpu.dma_semaphore, #tpu.memory_space<semaphore_mem>>) src(%dma_wait3A_60 : memref<80xi32, #tpu.memory_space<hbm>>) dst(%arg7 : memref<80xi32, #tpu.memory_space<vmem>>)
        tpu.yield
      }) : () -> ()
      "tpu.region"() ({
        %run_scoped3A = tpu.sem_alloc : memref<!tpu.dma_semaphore, #tpu.memory_space<semaphore_mem>>
        %dma_start3A_57 = tpu.memref_slice %arg4[%multiple_of3A_50] : memref<320000xi32, #tpu.memory_space<hbm>> -> memref<80xi32, #tpu.memory_space<hbm>>
        %dma_start3A_58 = tpu.memref_slice %arg4[%multiple_of3A_50] : memref<320000xi32, #tpu.memory_space<hbm>> -> memref<80xi32, #tpu.memory_space<hbm>>
        tpu.enqueue_dma source(%dma_start3A_58 : memref<80xi32, #tpu.memory_space<hbm>>) target(%arg8 : memref<80xi32, #tpu.memory_space<vmem>>) target_semaphore(%run_scoped3A : memref<!tpu.dma_semaphore, #tpu.memory_space<semaphore_mem>>)
        %dma_wait3A_59 = tpu.memref_slice %arg4[%multiple_of3A_50] : memref<320000xi32, #tpu.memory_space<hbm>> -> memref<80xi32, #tpu.memory_space<hbm>>
        %dma_wait3A_60 = tpu.memref_slice %arg4[%multiple_of3A_50] : memref<320000xi32, #tpu.memory_space<hbm>> -> memref<80xi32, #tpu.memory_space<hbm>>
        tpu.wait_dma2 semaphore(%run_scoped3A : memref<!tpu.dma_semaphore, #tpu.memory_space<semaphore_mem>>) src(%dma_wait3A_60 : memref<80xi32, #tpu.memory_space<hbm>>) dst(%arg8 : memref<80xi32, #tpu.memory_space<vmem>>)
        tpu.yield
      }) : () -> ()
      %dma_start3A_51 = arith.constant 0 : i32
      %dma_start3A_52 = arith.constant 0 : i32
      %dma_start3A_53 = tpu.memref_slice %arg2[%dma_start3A_51, %dma_start3A_52] : memref<10000x144xf32, #tpu.memory_space<hbm>> -> memref<10000x144xf32, #tpu.memory_space<hbm>>
      tpu.enqueue_indirect_dma source(%dma_start3A_53 : memref<10000x144xf32, #tpu.memory_space<hbm>>) target(%arg9 : memref<80x144xf32, #tpu.memory_space<vmem>>) offsets(%arg7 : memref<80xi32, #tpu.memory_space<vmem>>) semaphore(%arg13 : memref<!tpu.dma_semaphore, #tpu.memory_space<semaphore_mem>>)
      %dma_wait3A_54 = arith.constant 0 : i32
      %dma_wait3A_55 = arith.constant 0 : i32
      %dma_wait3A_56 = tpu.memref_slice %arg2[%dma_wait3A_54, %dma_wait3A_55] : memref<10000x144xf32, #tpu.memory_space<hbm>> -> memref<10000x144xf32, #tpu.memory_space<hbm>>
      tpu.wait_indirect_dma semaphore(%arg14 : memref<!tpu.dma_semaphore, #tpu.memory_space<semaphore_mem>>) src(%dma_wait3A_56 : memref<10000x144xf32, #tpu.memory_space<hbm>>) dst(%arg12 : memref<80x144xf32, #tpu.memory_space<vmem>>)
      "tpu.region"() ({
        %run_scoped3A = tpu.sem_alloc : memref<!tpu.dma_semaphore, #tpu.memory_space<semaphore_mem>>
        %dma_start3A_57 = arith.constant 0 : i32
        %dma_start3A_58 = arith.constant 0 : i32
        %dma_start3A_59 = tpu.memref_slice %arg15[%dma_start3A_57, %dma_start3A_58] : memref<10240x144xf32, #tpu.memory_space<vmem_shared>> -> memref<10240x144xf32, #tpu.memory_space<vmem_shared>>
        tpu.enqueue_indirect_dma source(%arg12 : memref<80x144xf32, #tpu.memory_space<vmem>>) target(%dma_start3A_59 : memref<10240x144xf32, #tpu.memory_space<vmem_shared>>) offsets(%arg11 : memref<80xi32, #tpu.memory_space<vmem>>) semaphore(%run_scoped3A : memref<!tpu.dma_semaphore, #tpu.memory_space<semaphore_mem>>) {add = true}
        %dma_wait3A_60 = arith.constant 0 : i32
        %dma_wait3A_61 = arith.constant 0 : i32
        %dma_wait3A_62 = tpu.memref_slice %arg15[%dma_wait3A_60, %dma_wait3A_61] : memref<10240x144xf32, #tpu.memory_space<vmem_shared>> -> memref<10240x144xf32, #tpu.memory_space<vmem_shared>>
        tpu.wait_indirect_dma semaphore(%run_scoped3A : memref<!tpu.dma_semaphore, #tpu.memory_space<semaphore_mem>>) src(%arg12 : memref<80x144xf32, #tpu.memory_space<vmem>>) dst(%dma_wait3A_62 : memref<10240x144xf32, #tpu.memory_space<vmem_shared>>)
        tpu.yield
      }) : () -> ()
    }
    %scan3A_18 = arith.constant 62 : i32
    %dma_wait3A = arith.constant 0 : i32
    %dma_wait3A_19 = arith.constant 0 : i32
    %dma_wait3A_20 = tpu.memref_slice %arg2[%dma_wait3A, %dma_wait3A_19] : memref<10000x144xf32, #tpu.memory_space<hbm>> -> memref<10000x144xf32, #tpu.memory_space<hbm>>
    tpu.wait_indirect_dma semaphore(%arg13 : memref<!tpu.dma_semaphore, #tpu.memory_space<semaphore_mem>>) src(%dma_wait3A_20 : memref<10000x144xf32, #tpu.memory_space<hbm>>) dst(%arg9 : memref<80x144xf32, #tpu.memory_space<vmem>>)
    "tpu.region"() ({
      %run_scoped3A = tpu.sem_alloc : memref<!tpu.dma_semaphore, #tpu.memory_space<semaphore_mem>>
      %dma_start3A_28 = arith.constant 0 : i32
      %dma_start3A_29 = arith.constant 0 : i32
      %dma_start3A_30 = tpu.memref_slice %arg15[%dma_start3A_28, %dma_start3A_29] : memref<10240x144xf32, #tpu.memory_space<vmem_shared>> -> memref<10240x144xf32, #tpu.memory_space<vmem_shared>>
      tpu.enqueue_indirect_dma source(%arg9 : memref<80x144xf32, #tpu.memory_space<vmem>>) target(%dma_start3A_30 : memref<10240x144xf32, #tpu.memory_space<vmem_shared>>) offsets(%arg8 : memref<80xi32, #tpu.memory_space<vmem>>) semaphore(%run_scoped3A : memref<!tpu.dma_semaphore, #tpu.memory_space<semaphore_mem>>) {add = true}
      %dma_wait3A_31 = arith.constant 0 : i32
      %dma_wait3A_32 = arith.constant 0 : i32
      %dma_wait3A_33 = tpu.memref_slice %arg15[%dma_wait3A_31, %dma_wait3A_32] : memref<10240x144xf32, #tpu.memory_space<vmem_shared>> -> memref<10240x144xf32, #tpu.memory_space<vmem_shared>>
      tpu.wait_indirect_dma semaphore(%run_scoped3A : memref<!tpu.dma_semaphore, #tpu.memory_space<semaphore_mem>>) src(%arg9 : memref<80x144xf32, #tpu.memory_space<vmem>>) dst(%dma_wait3A_33 : memref<10240x144xf32, #tpu.memory_space<vmem_shared>>)
      tpu.yield
    }) : () -> ()
    %barrier3A_21 = arith.constant 0 : index
    tpu.barrier barrier_id(%barrier3A_21)
    %scan3A_22 = arith.constant 0 : i32
    %scan3A_23 = arith.constant 0 : i32
    %scan3A_24 = arith.constant 8 : i32
    %scan3A_25 = arith.addi %scan3A_23, %scan3A_24 : i32
    %scan3A_26 = arith.constant 1 : i32
    scf.for %scan3A_28 = %scan3A_23 to %scan3A_25 step %scan3A_26  : i32 {
      %mul3A_29 = arith.constant 640 : i32
      %mul3A_30 = arith.muli %arg1, %mul3A_29 : i32
      %mul3A_31 = arith.constant 80 : i32
      %mul3A_32 = arith.muli %scan3A_28, %mul3A_31 : i32
      %add3A_33 = arith.addi %mul3A_30, %mul3A_32 : i32
      %multiple_of3A_34 = tpu.assume_multiple %add3A_33, 8 : i32
      "tpu.region"() ({
        %run_scoped3A = tpu.sem_alloc : memref<!tpu.dma_semaphore, #tpu.memory_space<semaphore_mem>>
        %dma_start3A_38 = arith.constant 0 : i32
        %dma_start3A_39 = tpu.memref_slice %arg15[%multiple_of3A_34, %dma_start3A_38] : memref<10240x144xf32, #tpu.memory_space<vmem_shared>> -> memref<80x144xf32, #tpu.memory_space<vmem_shared>>
        %dma_start3A_40 = arith.constant 0 : i32
        %dma_start3A_41 = tpu.memref_slice %arg15[%multiple_of3A_34, %dma_start3A_40] : memref<10240x144xf32, #tpu.memory_space<vmem_shared>> -> memref<80x144xf32, #tpu.memory_space<vmem_shared>>
        tpu.enqueue_dma source(%dma_start3A_41 : memref<80x144xf32, #tpu.memory_space<vmem_shared>>) target(%arg9 : memref<80x144xf32, #tpu.memory_space<vmem>>) target_semaphore(%run_scoped3A : memref<!tpu.dma_semaphore, #tpu.memory_space<semaphore_mem>>)
        %dma_wait3A_42 = arith.constant 0 : i32
        %dma_wait3A_43 = tpu.memref_slice %arg15[%multiple_of3A_34, %dma_wait3A_42] : memref<10240x144xf32, #tpu.memory_space<vmem_shared>> -> memref<80x144xf32, #tpu.memory_space<vmem_shared>>
        %dma_wait3A_44 = arith.constant 0 : i32
        %dma_wait3A_45 = tpu.memref_slice %arg15[%multiple_of3A_34, %dma_wait3A_44] : memref<10240x144xf32, #tpu.memory_space<vmem_shared>> -> memref<80x144xf32, #tpu.memory_space<vmem_shared>>
        tpu.wait_dma2 semaphore(%run_scoped3A : memref<!tpu.dma_semaphore, #tpu.memory_space<semaphore_mem>>) src(%dma_wait3A_45 : memref<80x144xf32, #tpu.memory_space<vmem_shared>>) dst(%arg9 : memref<80x144xf32, #tpu.memory_space<vmem>>)
        tpu.yield
      }) : () -> ()
      %mul3A_35 = arith.constant 10240 : i32
      %mul3A_36 = arith.muli %arg0, %mul3A_35 : i32
      %add3A_37 = arith.addi %mul3A_36, %multiple_of3A_34 : i32
      "tpu.region"() ({
        %run_scoped3A = tpu.sem_alloc : memref<!tpu.dma_semaphore, #tpu.memory_space<semaphore_mem>>
        %dma_start3A_38 = arith.constant 0 : i32
        %dma_start3A_39 = tpu.memref_slice %arg6[%add3A_37, %dma_start3A_38] : memref<20480x144xf32, #tpu.memory_space<hbm>> -> memref<80x144xf32, #tpu.memory_space<hbm>>
        %dma_start3A_40 = arith.constant 0 : i32
        %dma_start3A_41 = tpu.memref_slice %arg6[%add3A_37, %dma_start3A_40] : memref<20480x144xf32, #tpu.memory_space<hbm>> -> memref<80x144xf32, #tpu.memory_space<hbm>>
        tpu.enqueue_dma source(%arg9 : memref<80x144xf32, #tpu.memory_space<vmem>>) target(%dma_start3A_41 : memref<80x144xf32, #tpu.memory_space<hbm>>) target_semaphore(%run_scoped3A : memref<!tpu.dma_semaphore, #tpu.memory_space<semaphore_mem>>)
        %dma_wait3A_42 = arith.constant 0 : i32
        %dma_wait3A_43 = tpu.memref_slice %arg6[%add3A_37, %dma_wait3A_42] : memref<20480x144xf32, #tpu.memory_space<hbm>> -> memref<80x144xf32, #tpu.memory_space<hbm>>
        %dma_wait3A_44 = arith.constant 0 : i32
        %dma_wait3A_45 = tpu.memref_slice %arg6[%add3A_37, %dma_wait3A_44] : memref<20480x144xf32, #tpu.memory_space<hbm>> -> memref<80x144xf32, #tpu.memory_space<hbm>>
        tpu.wait_dma2 semaphore(%run_scoped3A : memref<!tpu.dma_semaphore, #tpu.memory_space<semaphore_mem>>) src(%arg9 : memref<80x144xf32, #tpu.memory_space<vmem>>) dst(%dma_wait3A_45 : memref<80x144xf32, #tpu.memory_space<hbm>>)
        tpu.yield
      }) : () -> ()
    }
    %scan3A_27 = arith.constant 8 : i32
    return
  }
}

module attributes {stable_mosaic.version = 14 : i64} {
  func.func @_pre_kernel(%arg0: i32, %arg1: memref<1000x128xf32, #tpu.memory_space<vmem>>, %arg2: memref<128x128xf32, #tpu.memory_space<vmem>>, %arg3: memref<128x128xf32, #tpu.memory_space<vmem>>, %arg4: memref<128x16xf32, #tpu.memory_space<vmem>>, %arg5: memref<128x128xf32, #tpu.memory_space<vmem>>, %arg6: memref<1000x128xf32, #tpu.memory_space<vmem>>, %arg7: memref<1000x16xf32, #tpu.memory_space<vmem>>) attributes {dimension_semantics = [#tpu.dimension_semantics<arbitrary>], iteration_bounds = array<i64: 10>, scalar_prefetch = 0 : i64, scratch_operands = 0 : i64, tpu.core_type = #tpu.core_type<tc>, window_params = [{transform_indices = @transform_0, window_bounds = array<i64: 1000, 128>}, {pipeline_mode = #tpu.pipeline_mode<synchronous>, transform_indices = @transform_1, window_bounds = array<i64: 128, 128>}, {pipeline_mode = #tpu.pipeline_mode<synchronous>, transform_indices = @transform_2, window_bounds = array<i64: 128, 128>}, {pipeline_mode = #tpu.pipeline_mode<synchronous>, transform_indices = @transform_3, window_bounds = array<i64: 128, 16>}, {pipeline_mode = #tpu.pipeline_mode<synchronous>, transform_indices = @transform_4, window_bounds = array<i64: 128, 128>}, {transform_indices = @transform_5, window_bounds = array<i64: 1000, 128>}, {transform_indices = @transform_6, window_bounds = array<i64: 1000, 16>}]} {
    %get3A = arith.constant 0 : index
    %get3A_0 = arith.constant 0 : index
    %get3A_1 = vector.load %arg1[%get3A, %get3A_0] : memref<1000x128xf32, #tpu.memory_space<vmem>>, vector<1000x128xf32>
    %get3A_2 = arith.constant 0 : index
    %get3A_3 = arith.constant 0 : index
    %get3A_4 = vector.load %arg2[%get3A_2, %get3A_3] : memref<128x128xf32, #tpu.memory_space<vmem>>, vector<128x128xf32>
    %get3A_5 = arith.constant 0 : index
    %get3A_6 = arith.constant 0 : index
    %get3A_7 = vector.load %arg3[%get3A_5, %get3A_6] : memref<128x128xf32, #tpu.memory_space<vmem>>, vector<128x128xf32>
    %get3A_8 = arith.constant 0 : index
    %get3A_9 = arith.constant 0 : index
    %get3A_10 = vector.load %arg4[%get3A_8, %get3A_9] : memref<128x16xf32, #tpu.memory_space<vmem>>, vector<128x16xf32>
    %get3A_11 = arith.constant 0 : index
    %get3A_12 = arith.constant 0 : index
    %get3A_13 = vector.load %arg5[%get3A_11, %get3A_12] : memref<128x128xf32, #tpu.memory_space<vmem>>, vector<128x128xf32>
    %dot_general3A = arith.constant dense<0.000000e+00> : vector<1000x128xf32>
    %dot_general3A_14 = tpu.matmul %get3A_1, %get3A_4, %dot_general3A {dimension_numbers = #tpu.dot_dimension_numbers<[1], [0], [0], [1], [0, 0, 1, 1], [], []>, precision = #tpu.contract_precision<fp32>, transpose_lhs_hint = false} : vector<1000x128xf32>, vector<128x128xf32>, vector<1000x128xf32> -> vector<1000x128xf32>
    %dot_general3A_15 = arith.constant dense<0.000000e+00> : vector<1000x128xf32>
    %dot_general3A_16 = tpu.matmul %dot_general3A_14, %get3A_7, %dot_general3A_15 {dimension_numbers = #tpu.dot_dimension_numbers<[1], [0], [0], [1], [0, 0, 1, 1], [], []>, precision = #tpu.contract_precision<fp32>, transpose_lhs_hint = false} : vector<1000x128xf32>, vector<128x128xf32>, vector<1000x128xf32> -> vector<1000x128xf32>
    %exp3A = math.exp %dot_general3A_16 : vector<1000x128xf32>
    %dot_general3A_17 = arith.constant dense<0.000000e+00> : vector<1000x16xf32>
    %dot_general3A_18 = tpu.matmul %dot_general3A_14, %get3A_10, %dot_general3A_17 {dimension_numbers = #tpu.dot_dimension_numbers<[1], [0], [0], [1], [0, 0, 1, 1], [], []>, precision = #tpu.contract_precision<fp32>, transpose_lhs_hint = false} : vector<1000x128xf32>, vector<128x16xf32>, vector<1000x16xf32> -> vector<1000x16xf32>
    %exp3A_19 = math.exp %dot_general3A_18 : vector<1000x16xf32>
    %dot_general3A_20 = arith.constant dense<0.000000e+00> : vector<1000x128xf32>
    %dot_general3A_21 = tpu.matmul %get3A_1, %get3A_13, %dot_general3A_20 {dimension_numbers = #tpu.dot_dimension_numbers<[1], [0], [0], [1], [0, 0, 1, 1], [], []>, precision = #tpu.contract_precision<fp32>, transpose_lhs_hint = false} : vector<1000x128xf32>, vector<128x128xf32>, vector<1000x128xf32> -> vector<1000x128xf32>
    %mul3A = arith.mulf %exp3A, %dot_general3A_21 : vector<1000x128xf32>
    %swap3A = arith.constant 0 : index
    %swap3A_22 = arith.constant 0 : index
    %swap3A_23 = vector.load %arg6[%swap3A, %swap3A_22] : memref<1000x128xf32, #tpu.memory_space<vmem>>, vector<1000x128xf32>
    tpu.vector_store %arg6[%swap3A, %swap3A_22], %mul3A {strides = array<i32>} : memref<1000x128xf32, #tpu.memory_space<vmem>>, vector<1000x128xf32>,
    %swap3A_24 = arith.constant 0 : index
    %swap3A_25 = arith.constant 0 : index
    %swap3A_26 = vector.load %arg7[%swap3A_24, %swap3A_25] : memref<1000x16xf32, #tpu.memory_space<vmem>>, vector<1000x16xf32>
    tpu.vector_store %arg7[%swap3A_24, %swap3A_25], %exp3A_19 {strides = array<i32>} : memref<1000x16xf32, #tpu.memory_space<vmem>>, vector<1000x16xf32>,
    return
  }
  func.func @transform_0(%arg0: i32) -> (i32, i32) {
    %c0_i32 = arith.constant 0 : i32
    %c0_i32_0 = arith.constant 0 : i32
    return %arg0, %c0_i32 : i32, i32
  }
  func.func @transform_1(%arg0: i32) -> (i32, i32) {
    %c0_i32 = arith.constant 0 : i32
    %c0_i32_0 = arith.constant 0 : i32
    %c0_i32_1 = arith.constant 0 : i32
    return %c0_i32, %c0_i32_0 : i32, i32
  }
  func.func @transform_2(%arg0: i32) -> (i32, i32) {
    %c0_i32 = arith.constant 0 : i32
    %c0_i32_0 = arith.constant 0 : i32
    %c0_i32_1 = arith.constant 0 : i32
    return %c0_i32, %c0_i32_0 : i32, i32
  }
  func.func @transform_3(%arg0: i32) -> (i32, i32) {
    %c0_i32 = arith.constant 0 : i32
    %c0_i32_0 = arith.constant 0 : i32
    %c0_i32_1 = arith.constant 0 : i32
    return %c0_i32, %c0_i32_0 : i32, i32
  }
  func.func @transform_4(%arg0: i32) -> (i32, i32) {
    %c0_i32 = arith.constant 0 : i32
    %c0_i32_0 = arith.constant 0 : i32
    %c0_i32_1 = arith.constant 0 : i32
    return %c0_i32, %c0_i32_0 : i32, i32
  }
  func.func @transform_5(%arg0: i32) -> (i32, i32) {
    %c0_i32 = arith.constant 0 : i32
    %c0_i32_0 = arith.constant 0 : i32
    return %arg0, %c0_i32 : i32, i32
  }
  func.func @transform_6(%arg0: i32) -> (i32, i32) {
    %c0_i32 = arith.constant 0 : i32
    %c0_i32_0 = arith.constant 0 : i32
    return %arg0, %c0_i32 : i32, i32
  }
}

module attributes {stable_mosaic.version = 14 : i64} {
  func.func @_mid_kernel(%arg0: i32, %arg1: memref<1000x144xf32, #tpu.memory_space<vmem>>, %arg2: memref<1000x144xf32, #tpu.memory_space<vmem>>, %arg3: memref<144x128xf32, #tpu.memory_space<vmem>>, %arg4: memref<1x128xf32, #tpu.memory_space<vmem>>, %arg5: memref<1x128xf32, #tpu.memory_space<vmem>>, %arg6: memref<1x128xf32, #tpu.memory_space<vmem>>, %arg7: memref<1x128xf32, #tpu.memory_space<vmem>>, %arg8: memref<1x128xf32, #tpu.memory_space<vmem>>, %arg9: memref<128x128xf32, #tpu.memory_space<vmem>>, %arg10: memref<1x128xf32, #tpu.memory_space<vmem>>, %arg11: memref<128x128xf32, #tpu.memory_space<vmem>>, %arg12: memref<1x128xf32, #tpu.memory_space<vmem>>, %arg13: memref<128x128xf32, #tpu.memory_space<vmem>>, %arg14: memref<128x128xf32, #tpu.memory_space<vmem>>, %arg15: memref<128x16xf32, #tpu.memory_space<vmem>>, %arg16: memref<128x128xf32, #tpu.memory_space<vmem>>, %arg17: memref<1000x128xf32, #tpu.memory_space<vmem>>, %arg18: memref<1000x128xf32, #tpu.memory_space<vmem>>, %arg19: memref<1000x16xf32, #tpu.memory_space<vmem>>) attributes {dimension_semantics = [#tpu.dimension_semantics<arbitrary>], iteration_bounds = array<i64: 10>, scalar_prefetch = 0 : i64, scratch_operands = 0 : i64, tpu.core_type = #tpu.core_type<tc>, window_params = [{transform_indices = @transform_0, window_bounds = array<i64: 1000, 144>}, {transform_indices = @transform_1, window_bounds = array<i64: 1000, 144>}, {pipeline_mode = #tpu.pipeline_mode<synchronous>, transform_indices = @transform_2, window_bounds = array<i64: 144, 128>}, {pipeline_mode = #tpu.pipeline_mode<synchronous>, transform_indices = @transform_3, window_bounds = array<i64: 1, 128>}, {pipeline_mode = #tpu.pipeline_mode<synchronous>, transform_indices = @transform_4, window_bounds = array<i64: 1, 128>}, {pipeline_mode = #tpu.pipeline_mode<synchronous>, transform_indices = @transform_5, window_bounds = array<i64: 1, 128>}, {pipeline_mode = #tpu.pipeline_mode<synchronous>, transform_indices = @transform_6, window_bounds = array<i64: 1, 128>}, {pipeline_mode = #tpu.pipeline_mode<synchronous>, transform_indices = @transform_7, window_bounds = array<i64: 1, 128>}, {pipeline_mode = #tpu.pipeline_mode<synchronous>, transform_indices = @transform_8, window_bounds = array<i64: 128, 128>}, {pipeline_mode = #tpu.pipeline_mode<synchronous>, transform_indices = @transform_9, window_bounds = array<i64: 1, 128>}, {pipeline_mode = #tpu.pipeline_mode<synchronous>, transform_indices = @transform_10, window_bounds = array<i64: 128, 128>}, {pipeline_mode = #tpu.pipeline_mode<synchronous>, transform_indices = @transform_11, window_bounds = array<i64: 1, 128>}, {pipeline_mode = #tpu.pipeline_mode<synchronous>, transform_indices = @transform_12, window_bounds = array<i64: 128, 128>}, {pipeline_mode = #tpu.pipeline_mode<synchronous>, transform_indices = @transform_13, window_bounds = array<i64: 128, 128>}, {pipeline_mode = #tpu.pipeline_mode<synchronous>, transform_indices = @transform_14, window_bounds = array<i64: 128, 16>}, {pipeline_mode = #tpu.pipeline_mode<synchronous>, transform_indices = @transform_15, window_bounds = array<i64: 128, 128>}, {transform_indices = @transform_16, window_bounds = array<i64: 1000, 128>}, {transform_indices = @transform_17, window_bounds = array<i64: 1000, 128>}, {transform_indices = @transform_18, window_bounds = array<i64: 1000, 16>}]} {
    %get3A = arith.constant 0 : index
    %get3A_0 = arith.constant 0 : index
    %get3A_1 = vector.load %arg1[%get3A, %get3A_0] : memref<1000x144xf32, #tpu.memory_space<vmem>>, vector<1000x144xf32>
    %get3A_2 = arith.constant 0 : index
    %get3A_3 = arith.constant 0 : index
    %get3A_4 = vector.load %arg2[%get3A_2, %get3A_3] : memref<1000x144xf32, #tpu.memory_space<vmem>>, vector<1000x144xf32>
    %add3A = arith.addf %get3A_1, %get3A_4 : vector<1000x144xf32>
    %get3A_5 = arith.constant 0 : index
    %get3A_6 = arith.constant 0 : index
    %get3A_7 = vector.load %arg3[%get3A_5, %get3A_6] : memref<144x128xf32, #tpu.memory_space<vmem>>, vector<144x128xf32>
    %get3A_8 = arith.constant 0 : index
    %get3A_9 = arith.constant 0 : index
    %get3A_10 = vector.load %arg4[%get3A_8, %get3A_9] : memref<1x128xf32, #tpu.memory_space<vmem>>, vector<1x128xf32>
    %get3A_11 = arith.constant 0 : index
    %get3A_12 = arith.constant 0 : index
    %get3A_13 = vector.load %arg5[%get3A_11, %get3A_12] : memref<1x128xf32, #tpu.memory_space<vmem>>, vector<1x128xf32>
    %get3A_14 = arith.constant 0 : index
    %get3A_15 = arith.constant 0 : index
    %get3A_16 = vector.load %arg6[%get3A_14, %get3A_15] : memref<1x128xf32, #tpu.memory_space<vmem>>, vector<1x128xf32>
    %get3A_17 = arith.constant 0 : index
    %get3A_18 = arith.constant 0 : index
    %get3A_19 = vector.load %arg7[%get3A_17, %get3A_18] : memref<1x128xf32, #tpu.memory_space<vmem>>, vector<1x128xf32>
    %get3A_20 = arith.constant 0 : index
    %get3A_21 = arith.constant 0 : index
    %get3A_22 = vector.load %arg8[%get3A_20, %get3A_21] : memref<1x128xf32, #tpu.memory_space<vmem>>, vector<1x128xf32>
    %get3A_23 = arith.constant 0 : index
    %get3A_24 = arith.constant 0 : index
    %get3A_25 = vector.load %arg9[%get3A_23, %get3A_24] : memref<128x128xf32, #tpu.memory_space<vmem>>, vector<128x128xf32>
    %get3A_26 = arith.constant 0 : index
    %get3A_27 = arith.constant 0 : index
    %get3A_28 = vector.load %arg10[%get3A_26, %get3A_27] : memref<1x128xf32, #tpu.memory_space<vmem>>, vector<1x128xf32>
    %get3A_29 = arith.constant 0 : index
    %get3A_30 = arith.constant 0 : index
    %get3A_31 = vector.load %arg11[%get3A_29, %get3A_30] : memref<128x128xf32, #tpu.memory_space<vmem>>, vector<128x128xf32>
    %get3A_32 = arith.constant 0 : index
    %get3A_33 = arith.constant 0 : index
    %get3A_34 = vector.load %arg12[%get3A_32, %get3A_33] : memref<1x128xf32, #tpu.memory_space<vmem>>, vector<1x128xf32>
    %slice3A = vector.extract_strided_slice %add3A {offsets = [0, 0], sizes = [1000, 128], strides = [1, 1]} : vector<1000x144xf32> to vector<1000x128xf32>
    %dot_general3A = arith.constant dense<0.000000e+00> : vector<1000x128xf32>
    %dot_general3A_35 = tpu.matmul %add3A, %get3A_7, %dot_general3A {dimension_numbers = #tpu.dot_dimension_numbers<[1], [0], [0], [1], [0, 0, 1, 1], [], []>, precision = #tpu.contract_precision<fp32>, transpose_lhs_hint = false} : vector<1000x144xf32>, vector<144x128xf32>, vector<1000x128xf32> -> vector<1000x128xf32>
    %eq3A = arith.constant 0.000000e+00 : f32
    %eq3A_36 = vector.broadcast %eq3A : f32 to vector<1000x128xf32>
    %eq3A_37 = arith.cmpf oeq, %dot_general3A_35, %eq3A_36 : vector<1000x128xf32>
    %eq3A_38 = arith.constant 0.000000e+00 : f32
    %eq3A_39 = vector.broadcast %eq3A_38 : f32 to vector<1000x128xf32>
    %eq3A_40 = arith.cmpf oeq, %dot_general3A_35, %eq3A_39 : vector<1000x128xf32>
    %jit3A = arith.constant 1.000000e+00 : f32
    %broadcast_in_dim3A = vector.broadcast %jit3A : f32 to vector<1000x128xf32>
    %select_n3A = arith.select %eq3A_40, %broadcast_in_dim3A, %dot_general3A_35 : vector<1000x128xi1>, vector<1000x128xf32>
    %div3A = arith.divf %slice3A, %select_n3A : vector<1000x128xf32>
    %jit3A_41 = arith.constant 0.000000e+00 : f32
    %broadcast_in_dim3A_42 = vector.broadcast %jit3A_41 : f32 to vector<1000x128xf32>
    %select_n3A_43 = arith.select %eq3A_37, %broadcast_in_dim3A_42, %div3A : vector<1000x128xi1>, vector<1000x128xf32>
    %add3A_44 = vector.broadcast %get3A_10 : vector<1x128xf32> to vector<1000x128xf32>
    %add3A_45 = arith.addf %select_n3A_43, %add3A_44 : vector<1000x128xf32>
    %reduce_sum3A = arith.constant dense<0.000000e+00> : vector<1000xf32>
    %reduce_sum3A_46 = vector.multi_reduction <add>, %add3A_45, %reduce_sum3A [1] : vector<1000x128xf32> to vector<1000xf32>
    %broadcast_in_dim3A_47 = vector.shape_cast %reduce_sum3A_46 : vector<1000xf32> to vector<1000x1xf32>
    %div3A_48 = arith.constant 1.280000e+02 : f32
    %div3A_49 = vector.broadcast %div3A_48 : f32 to vector<1000x1xf32>
    %div3A_50 = arith.divf %broadcast_in_dim3A_47, %div3A_49 : vector<1000x1xf32>
    %jit3A_51 = arith.constant 0 : i32
    %reduce_sum3A_52 = arith.constant dense<0.000000e+00> : vector<1000xf32>
    %reduce_sum3A_53 = vector.multi_reduction <add>, %add3A_45, %reduce_sum3A_52 [1] : vector<1000x128xf32> to vector<1000xf32>
    %broadcast_in_dim3A_54 = vector.shape_cast %reduce_sum3A_53 : vector<1000xf32> to vector<1000x1xf32>
    %div3A_55 = arith.constant 1.280000e+02 : f32
    %div3A_56 = vector.broadcast %div3A_55 : f32 to vector<1000x1xf32>
    %div3A_57 = arith.divf %broadcast_in_dim3A_54, %div3A_56 : vector<1000x1xf32>
    %sub3A = vector.broadcast %div3A_57 : vector<1000x1xf32> to vector<1000x128xf32>
    %sub3A_58 = arith.subf %add3A_45, %sub3A : vector<1000x128xf32>
    %square3A = arith.mulf %sub3A_58, %sub3A_58 : vector<1000x128xf32>
    %convert_element_type3A = arith.sitofp %jit3A_51 : i32 to f32
    %sub3A_59 = arith.constant 1.280000e+02 : f32
    %sub3A_60 = arith.subf %sub3A_59, %convert_element_type3A : f32
    %reduce_sum3A_61 = arith.constant dense<0.000000e+00> : vector<1000xf32>
    %reduce_sum3A_62 = vector.multi_reduction <add>, %square3A, %reduce_sum3A_61 [1] : vector<1000x128xf32> to vector<1000xf32>
    %broadcast_in_dim3A_63 = vector.shape_cast %reduce_sum3A_62 : vector<1000xf32> to vector<1000x1xf32>
    %div3A_64 = vector.broadcast %sub3A_60 : f32 to vector<1000x1xf32>
    %div3A_65 = arith.divf %broadcast_in_dim3A_63, %div3A_64 : vector<1000x1xf32>
    %gt3A = arith.constant 0.000000e+00 : f32
    %gt3A_66 = arith.cmpf ogt, %sub3A_60, %gt3A : f32
    %jit3A_67 = arith.constant 0x7FC00000 : f32
    %broadcast_in_dim3A_68 = vector.broadcast %jit3A_67 : f32 to vector<1000x1xf32>
    %select_n3A_69 = arith.select %gt3A_66, %div3A_65, %broadcast_in_dim3A_68 : vector<1000x1xf32>
    %sub3A_70 = vector.broadcast %div3A_50 : vector<1000x1xf32> to vector<1000x128xf32>
    %sub3A_71 = arith.subf %add3A_45, %sub3A_70 : vector<1000x128xf32>
    %add3A_72 = arith.constant 9.99999974E-6 : f32
    %add3A_73 = vector.broadcast %add3A_72 : f32 to vector<1000x1xf32>
    %add3A_74 = arith.addf %select_n3A_69, %add3A_73 : vector<1000x1xf32>
    %sqrt3A = math.sqrt %add3A_74 : vector<1000x1xf32>
    %div3A_75 = vector.broadcast %sqrt3A : vector<1000x1xf32> to vector<1000x128xf32>
    %div3A_76 = arith.divf %sub3A_71, %div3A_75 : vector<1000x128xf32>
    %mul3A = vector.broadcast %get3A_13 : vector<1x128xf32> to vector<1000x128xf32>
    %mul3A_77 = arith.mulf %div3A_76, %mul3A : vector<1000x128xf32>
    %add3A_78 = vector.broadcast %get3A_16 : vector<1x128xf32> to vector<1000x128xf32>
    %add3A_79 = arith.addf %mul3A_77, %add3A_78 : vector<1000x128xf32>
    %dot_general3A_80 = arith.constant dense<0.000000e+00> : vector<1000x128xf32>
    %dot_general3A_81 = tpu.matmul %add3A_79, %get3A_25, %dot_general3A_80 {dimension_numbers = #tpu.dot_dimension_numbers<[1], [0], [0], [1], [0, 0, 1, 1], [], []>, precision = #tpu.contract_precision<fp32>, transpose_lhs_hint = false} : vector<1000x128xf32>, vector<128x128xf32>, vector<1000x128xf32> -> vector<1000x128xf32>
    %add3A_82 = vector.broadcast %get3A_28 : vector<1x128xf32> to vector<1000x128xf32>
    %add3A_83 = arith.addf %dot_general3A_81, %add3A_82 : vector<1000x128xf32>
    %max3A = arith.constant 0.000000e+00 : f32
    %max3A_84 = vector.broadcast %max3A : f32 to vector<1000x128xf32>
    %max3A_85 = arith.maximumf %add3A_83, %max3A_84 : vector<1000x128xf32>
    %dot_general3A_86 = arith.constant dense<0.000000e+00> : vector<1000x128xf32>
    %dot_general3A_87 = tpu.matmul %max3A_85, %get3A_31, %dot_general3A_86 {dimension_numbers = #tpu.dot_dimension_numbers<[1], [0], [0], [1], [0, 0, 1, 1], [], []>, precision = #tpu.contract_precision<fp32>, transpose_lhs_hint = false} : vector<1000x128xf32>, vector<128x128xf32>, vector<1000x128xf32> -> vector<1000x128xf32>
    %add3A_88 = vector.broadcast %get3A_34 : vector<1x128xf32> to vector<1000x128xf32>
    %add3A_89 = arith.addf %dot_general3A_87, %add3A_88 : vector<1000x128xf32>
    %max3A_90 = arith.constant 0.000000e+00 : f32
    %max3A_91 = vector.broadcast %max3A_90 : f32 to vector<1000x128xf32>
    %max3A_92 = arith.maximumf %add3A_89, %max3A_91 : vector<1000x128xf32>
    %add3A_93 = arith.addf %add3A_79, %max3A_92 : vector<1000x128xf32>
    %reduce_sum3A_94 = arith.constant dense<0.000000e+00> : vector<1000xf32>
    %reduce_sum3A_95 = vector.multi_reduction <add>, %add3A_93, %reduce_sum3A_94 [1] : vector<1000x128xf32> to vector<1000xf32>
    %broadcast_in_dim3A_96 = vector.shape_cast %reduce_sum3A_95 : vector<1000xf32> to vector<1000x1xf32>
    %div3A_97 = arith.constant 1.280000e+02 : f32
    %div3A_98 = vector.broadcast %div3A_97 : f32 to vector<1000x1xf32>
    %div3A_99 = arith.divf %broadcast_in_dim3A_96, %div3A_98 : vector<1000x1xf32>
    %jit3A_100 = arith.constant 0 : i32
    %reduce_sum3A_101 = arith.constant dense<0.000000e+00> : vector<1000xf32>
    %reduce_sum3A_102 = vector.multi_reduction <add>, %add3A_93, %reduce_sum3A_101 [1] : vector<1000x128xf32> to vector<1000xf32>
    %broadcast_in_dim3A_103 = vector.shape_cast %reduce_sum3A_102 : vector<1000xf32> to vector<1000x1xf32>
    %div3A_104 = arith.constant 1.280000e+02 : f32
    %div3A_105 = vector.broadcast %div3A_104 : f32 to vector<1000x1xf32>
    %div3A_106 = arith.divf %broadcast_in_dim3A_103, %div3A_105 : vector<1000x1xf32>
    %sub3A_107 = vector.broadcast %div3A_106 : vector<1000x1xf32> to vector<1000x128xf32>
    %sub3A_108 = arith.subf %add3A_93, %sub3A_107 : vector<1000x128xf32>
    %square3A_109 = arith.mulf %sub3A_108, %sub3A_108 : vector<1000x128xf32>
    %convert_element_type3A_110 = arith.sitofp %jit3A_100 : i32 to f32
    %sub3A_111 = arith.constant 1.280000e+02 : f32
    %sub3A_112 = arith.subf %sub3A_111, %convert_element_type3A_110 : f32
    %reduce_sum3A_113 = arith.constant dense<0.000000e+00> : vector<1000xf32>
    %reduce_sum3A_114 = vector.multi_reduction <add>, %square3A_109, %reduce_sum3A_113 [1] : vector<1000x128xf32> to vector<1000xf32>
    %broadcast_in_dim3A_115 = vector.shape_cast %reduce_sum3A_114 : vector<1000xf32> to vector<1000x1xf32>
    %div3A_116 = vector.broadcast %sub3A_112 : f32 to vector<1000x1xf32>
    %div3A_117 = arith.divf %broadcast_in_dim3A_115, %div3A_116 : vector<1000x1xf32>
    %gt3A_118 = arith.constant 0.000000e+00 : f32
    %gt3A_119 = arith.cmpf ogt, %sub3A_112, %gt3A_118 : f32
    %jit3A_120 = arith.constant 0x7FC00000 : f32
    %broadcast_in_dim3A_121 = vector.broadcast %jit3A_120 : f32 to vector<1000x1xf32>
    %select_n3A_122 = arith.select %gt3A_119, %div3A_117, %broadcast_in_dim3A_121 : vector<1000x1xf32>
    %sub3A_123 = vector.broadcast %div3A_99 : vector<1000x1xf32> to vector<1000x128xf32>
    %sub3A_124 = arith.subf %add3A_93, %sub3A_123 : vector<1000x128xf32>
    %add3A_125 = arith.constant 9.99999974E-6 : f32
    %add3A_126 = vector.broadcast %add3A_125 : f32 to vector<1000x1xf32>
    %add3A_127 = arith.addf %select_n3A_122, %add3A_126 : vector<1000x1xf32>
    %sqrt3A_128 = math.sqrt %add3A_127 : vector<1000x1xf32>
    %div3A_129 = vector.broadcast %sqrt3A_128 : vector<1000x1xf32> to vector<1000x128xf32>
    %div3A_130 = arith.divf %sub3A_124, %div3A_129 : vector<1000x128xf32>
    %mul3A_131 = vector.broadcast %get3A_19 : vector<1x128xf32> to vector<1000x128xf32>
    %mul3A_132 = arith.mulf %div3A_130, %mul3A_131 : vector<1000x128xf32>
    %add3A_133 = vector.broadcast %get3A_22 : vector<1x128xf32> to vector<1000x128xf32>
    %add3A_134 = arith.addf %mul3A_132, %add3A_133 : vector<1000x128xf32>
    %max3A_135 = arith.constant 0.000000e+00 : f32
    %max3A_136 = vector.broadcast %max3A_135 : f32 to vector<1000x128xf32>
    %max3A_137 = arith.maximumf %add3A_134, %max3A_136 : vector<1000x128xf32>
    %swap3A = arith.constant 0 : index
    %swap3A_138 = arith.constant 0 : index
    %swap3A_139 = vector.load %arg17[%swap3A, %swap3A_138] : memref<1000x128xf32, #tpu.memory_space<vmem>>, vector<1000x128xf32>
    tpu.vector_store %arg17[%swap3A, %swap3A_138], %max3A_137 {strides = array<i32>} : memref<1000x128xf32, #tpu.memory_space<vmem>>, vector<1000x128xf32>,
    %get3A_140 = arith.constant 0 : index
    %get3A_141 = arith.constant 0 : index
    %get3A_142 = vector.load %arg13[%get3A_140, %get3A_141] : memref<128x128xf32, #tpu.memory_space<vmem>>, vector<128x128xf32>
    %get3A_143 = arith.constant 0 : index
    %get3A_144 = arith.constant 0 : index
    %get3A_145 = vector.load %arg14[%get3A_143, %get3A_144] : memref<128x128xf32, #tpu.memory_space<vmem>>, vector<128x128xf32>
    %get3A_146 = arith.constant 0 : index
    %get3A_147 = arith.constant 0 : index
    %get3A_148 = vector.load %arg15[%get3A_146, %get3A_147] : memref<128x16xf32, #tpu.memory_space<vmem>>, vector<128x16xf32>
    %get3A_149 = arith.constant 0 : index
    %get3A_150 = arith.constant 0 : index
    %get3A_151 = vector.load %arg16[%get3A_149, %get3A_150] : memref<128x128xf32, #tpu.memory_space<vmem>>, vector<128x128xf32>
    %dot_general3A_152 = arith.constant dense<0.000000e+00> : vector<1000x128xf32>
    %dot_general3A_153 = tpu.matmul %max3A_137, %get3A_142, %dot_general3A_152 {dimension_numbers = #tpu.dot_dimension_numbers<[1], [0], [0], [1], [0, 0, 1, 1], [], []>, precision = #tpu.contract_precision<fp32>, transpose_lhs_hint = false} : vector<1000x128xf32>, vector<128x128xf32>, vector<1000x128xf32> -> vector<1000x128xf32>
    %dot_general3A_154 = arith.constant dense<0.000000e+00> : vector<1000x128xf32>
    %dot_general3A_155 = tpu.matmul %dot_general3A_153, %get3A_145, %dot_general3A_154 {dimension_numbers = #tpu.dot_dimension_numbers<[1], [0], [0], [1], [0, 0, 1, 1], [], []>, precision = #tpu.contract_precision<fp32>, transpose_lhs_hint = false} : vector<1000x128xf32>, vector<128x128xf32>, vector<1000x128xf32> -> vector<1000x128xf32>
    %exp3A = math.exp %dot_general3A_155 : vector<1000x128xf32>
    %dot_general3A_156 = arith.constant dense<0.000000e+00> : vector<1000x16xf32>
    %dot_general3A_157 = tpu.matmul %dot_general3A_153, %get3A_148, %dot_general3A_156 {dimension_numbers = #tpu.dot_dimension_numbers<[1], [0], [0], [1], [0, 0, 1, 1], [], []>, precision = #tpu.contract_precision<fp32>, transpose_lhs_hint = false} : vector<1000x128xf32>, vector<128x16xf32>, vector<1000x16xf32> -> vector<1000x16xf32>
    %exp3A_158 = math.exp %dot_general3A_157 : vector<1000x16xf32>
    %dot_general3A_159 = arith.constant dense<0.000000e+00> : vector<1000x128xf32>
    %dot_general3A_160 = tpu.matmul %max3A_137, %get3A_151, %dot_general3A_159 {dimension_numbers = #tpu.dot_dimension_numbers<[1], [0], [0], [1], [0, 0, 1, 1], [], []>, precision = #tpu.contract_precision<fp32>, transpose_lhs_hint = false} : vector<1000x128xf32>, vector<128x128xf32>, vector<1000x128xf32> -> vector<1000x128xf32>
    %mul3A_161 = arith.mulf %exp3A, %dot_general3A_160 : vector<1000x128xf32>
    %swap3A_162 = arith.constant 0 : index
    %swap3A_163 = arith.constant 0 : index
    %swap3A_164 = vector.load %arg18[%swap3A_162, %swap3A_163] : memref<1000x128xf32, #tpu.memory_space<vmem>>, vector<1000x128xf32>
    tpu.vector_store %arg18[%swap3A_162, %swap3A_163], %mul3A_161 {strides = array<i32>} : memref<1000x128xf32, #tpu.memory_space<vmem>>, vector<1000x128xf32>,
    %swap3A_165 = arith.constant 0 : index
    %swap3A_166 = arith.constant 0 : index
    %swap3A_167 = vector.load %arg19[%swap3A_165, %swap3A_166] : memref<1000x16xf32, #tpu.memory_space<vmem>>, vector<1000x16xf32>
    tpu.vector_store %arg19[%swap3A_165, %swap3A_166], %exp3A_158 {strides = array<i32>} : memref<1000x16xf32, #tpu.memory_space<vmem>>, vector<1000x16xf32>,
    return
  }
  func.func @transform_0(%arg0: i32) -> (i32, i32) {
    %c0_i32 = arith.constant 0 : i32
    %c0_i32_0 = arith.constant 0 : i32
    return %arg0, %c0_i32 : i32, i32
  }
  func.func @transform_1(%arg0: i32) -> (i32, i32) {
    %c0_i32 = arith.constant 0 : i32
    %c0_i32_0 = arith.constant 0 : i32
    return %arg0, %c0_i32 : i32, i32
  }
  func.func @transform_2(%arg0: i32) -> (i32, i32) {
    %c0_i32 = arith.constant 0 : i32
    %c0_i32_0 = arith.constant 0 : i32
    %c0_i32_1 = arith.constant 0 : i32
    return %c0_i32, %c0_i32_0 : i32, i32
  }
  func.func @transform_3(%arg0: i32) -> (i32, i32) {
    %c0_i32 = arith.constant 0 : i32
    %c0_i32_0 = arith.constant 0 : i32
    %c0_i32_1 = arith.constant 0 : i32
    return %c0_i32, %c0_i32_0 : i32, i32
  }
  func.func @transform_4(%arg0: i32) -> (i32, i32) {
    %c0_i32 = arith.constant 0 : i32
    %c0_i32_0 = arith.constant 0 : i32
    %c0_i32_1 = arith.constant 0 : i32
    return %c0_i32, %c0_i32_0 : i32, i32
  }
  func.func @transform_5(%arg0: i32) -> (i32, i32) {
    %c0_i32 = arith.constant 0 : i32
    %c0_i32_0 = arith.constant 0 : i32
    %c0_i32_1 = arith.constant 0 : i32
    return %c0_i32, %c0_i32_0 : i32, i32
  }
  func.func @transform_6(%arg0: i32) -> (i32, i32) {
    %c0_i32 = arith.constant 0 : i32
    %c0_i32_0 = arith.constant 0 : i32
    %c0_i32_1 = arith.constant 0 : i32
    return %c0_i32, %c0_i32_0 : i32, i32
  }
  func.func @transform_7(%arg0: i32) -> (i32, i32) {
    %c0_i32 = arith.constant 0 : i32
    %c0_i32_0 = arith.constant 0 : i32
    %c0_i32_1 = arith.constant 0 : i32
    return %c0_i32, %c0_i32_0 : i32, i32
  }
  func.func @transform_8(%arg0: i32) -> (i32, i32) {
    %c0_i32 = arith.constant 0 : i32
    %c0_i32_0 = arith.constant 0 : i32
    %c0_i32_1 = arith.constant 0 : i32
    return %c0_i32, %c0_i32_0 : i32, i32
  }
  func.func @transform_9(%arg0: i32) -> (i32, i32) {
    %c0_i32 = arith.constant 0 : i32
    %c0_i32_0 = arith.constant 0 : i32
    %c0_i32_1 = arith.constant 0 : i32
    return %c0_i32, %c0_i32_0 : i32, i32
  }
  func.func @transform_10(%arg0: i32) -> (i32, i32) {
    %c0_i32 = arith.constant 0 : i32
    %c0_i32_0 = arith.constant 0 : i32
    %c0_i32_1 = arith.constant 0 : i32
    return %c0_i32, %c0_i32_0 : i32, i32
  }
  func.func @transform_11(%arg0: i32) -> (i32, i32) {
    %c0_i32 = arith.constant 0 : i32
    %c0_i32_0 = arith.constant 0 : i32
    %c0_i32_1 = arith.constant 0 : i32
    return %c0_i32, %c0_i32_0 : i32, i32
  }
  func.func @transform_12(%arg0: i32) -> (i32, i32) {
    %c0_i32 = arith.constant 0 : i32
    %c0_i32_0 = arith.constant 0 : i32
    %c0_i32_1 = arith.constant 0 : i32
    return %c0_i32, %c0_i32_0 : i32, i32
  }
  func.func @transform_13(%arg0: i32) -> (i32, i32) {
    %c0_i32 = arith.constant 0 : i32
    %c0_i32_0 = arith.constant 0 : i32
    %c0_i32_1 = arith.constant 0 : i32
    return %c0_i32, %c0_i32_0 : i32, i32
  }
  func.func @transform_14(%arg0: i32) -> (i32, i32) {
    %c0_i32 = arith.constant 0 : i32
    %c0_i32_0 = arith.constant 0 : i32
    %c0_i32_1 = arith.constant 0 : i32
    return %c0_i32, %c0_i32_0 : i32, i32
  }
  func.func @transform_15(%arg0: i32) -> (i32, i32) {
    %c0_i32 = arith.constant 0 : i32
    %c0_i32_0 = arith.constant 0 : i32
    %c0_i32_1 = arith.constant 0 : i32
    return %c0_i32, %c0_i32_0 : i32, i32
  }
  func.func @transform_16(%arg0: i32) -> (i32, i32) {
    %c0_i32 = arith.constant 0 : i32
    %c0_i32_0 = arith.constant 0 : i32
    return %arg0, %c0_i32 : i32, i32
  }
  func.func @transform_17(%arg0: i32) -> (i32, i32) {
    %c0_i32 = arith.constant 0 : i32
    %c0_i32_0 = arith.constant 0 : i32
    return %arg0, %c0_i32 : i32, i32
  }
  func.func @transform_18(%arg0: i32) -> (i32, i32) {
    %c0_i32 = arith.constant 0 : i32
    %c0_i32_0 = arith.constant 0 : i32
    return %arg0, %c0_i32 : i32, i32
  }
}

module attributes {stable_mosaic.version = 14 : i64} {
  func.func @_post_kernel(%arg0: i32, %arg1: memref<1000x144xf32, #tpu.memory_space<vmem>>, %arg2: memref<1000x144xf32, #tpu.memory_space<vmem>>, %arg3: memref<144x128xf32, #tpu.memory_space<vmem>>, %arg4: memref<1x128xf32, #tpu.memory_space<vmem>>, %arg5: memref<1x128xf32, #tpu.memory_space<vmem>>, %arg6: memref<1x128xf32, #tpu.memory_space<vmem>>, %arg7: memref<1x128xf32, #tpu.memory_space<vmem>>, %arg8: memref<1x128xf32, #tpu.memory_space<vmem>>, %arg9: memref<128x128xf32, #tpu.memory_space<vmem>>, %arg10: memref<1x128xf32, #tpu.memory_space<vmem>>, %arg11: memref<128x128xf32, #tpu.memory_space<vmem>>, %arg12: memref<1x128xf32, #tpu.memory_space<vmem>>, %arg13: memref<1000x128xf32, #tpu.memory_space<vmem>>) attributes {dimension_semantics = [#tpu.dimension_semantics<arbitrary>], iteration_bounds = array<i64: 10>, scalar_prefetch = 0 : i64, scratch_operands = 0 : i64, tpu.core_type = #tpu.core_type<tc>, window_params = [{transform_indices = @transform_0, window_bounds = array<i64: 1000, 144>}, {transform_indices = @transform_1, window_bounds = array<i64: 1000, 144>}, {pipeline_mode = #tpu.pipeline_mode<synchronous>, transform_indices = @transform_2, window_bounds = array<i64: 144, 128>}, {pipeline_mode = #tpu.pipeline_mode<synchronous>, transform_indices = @transform_3, window_bounds = array<i64: 1, 128>}, {pipeline_mode = #tpu.pipeline_mode<synchronous>, transform_indices = @transform_4, window_bounds = array<i64: 1, 128>}, {pipeline_mode = #tpu.pipeline_mode<synchronous>, transform_indices = @transform_5, window_bounds = array<i64: 1, 128>}, {pipeline_mode = #tpu.pipeline_mode<synchronous>, transform_indices = @transform_6, window_bounds = array<i64: 1, 128>}, {pipeline_mode = #tpu.pipeline_mode<synchronous>, transform_indices = @transform_7, window_bounds = array<i64: 1, 128>}, {pipeline_mode = #tpu.pipeline_mode<synchronous>, transform_indices = @transform_8, window_bounds = array<i64: 128, 128>}, {pipeline_mode = #tpu.pipeline_mode<synchronous>, transform_indices = @transform_9, window_bounds = array<i64: 1, 128>}, {pipeline_mode = #tpu.pipeline_mode<synchronous>, transform_indices = @transform_10, window_bounds = array<i64: 128, 128>}, {pipeline_mode = #tpu.pipeline_mode<synchronous>, transform_indices = @transform_11, window_bounds = array<i64: 1, 128>}, {transform_indices = @transform_12, window_bounds = array<i64: 1000, 128>}]} {
    %get3A = arith.constant 0 : index
    %get3A_0 = arith.constant 0 : index
    %get3A_1 = vector.load %arg1[%get3A, %get3A_0] : memref<1000x144xf32, #tpu.memory_space<vmem>>, vector<1000x144xf32>
    %get3A_2 = arith.constant 0 : index
    %get3A_3 = arith.constant 0 : index
    %get3A_4 = vector.load %arg2[%get3A_2, %get3A_3] : memref<1000x144xf32, #tpu.memory_space<vmem>>, vector<1000x144xf32>
    %add3A = arith.addf %get3A_1, %get3A_4 : vector<1000x144xf32>
    %get3A_5 = arith.constant 0 : index
    %get3A_6 = arith.constant 0 : index
    %get3A_7 = vector.load %arg3[%get3A_5, %get3A_6] : memref<144x128xf32, #tpu.memory_space<vmem>>, vector<144x128xf32>
    %get3A_8 = arith.constant 0 : index
    %get3A_9 = arith.constant 0 : index
    %get3A_10 = vector.load %arg4[%get3A_8, %get3A_9] : memref<1x128xf32, #tpu.memory_space<vmem>>, vector<1x128xf32>
    %get3A_11 = arith.constant 0 : index
    %get3A_12 = arith.constant 0 : index
    %get3A_13 = vector.load %arg5[%get3A_11, %get3A_12] : memref<1x128xf32, #tpu.memory_space<vmem>>, vector<1x128xf32>
    %get3A_14 = arith.constant 0 : index
    %get3A_15 = arith.constant 0 : index
    %get3A_16 = vector.load %arg6[%get3A_14, %get3A_15] : memref<1x128xf32, #tpu.memory_space<vmem>>, vector<1x128xf32>
    %get3A_17 = arith.constant 0 : index
    %get3A_18 = arith.constant 0 : index
    %get3A_19 = vector.load %arg7[%get3A_17, %get3A_18] : memref<1x128xf32, #tpu.memory_space<vmem>>, vector<1x128xf32>
    %get3A_20 = arith.constant 0 : index
    %get3A_21 = arith.constant 0 : index
    %get3A_22 = vector.load %arg8[%get3A_20, %get3A_21] : memref<1x128xf32, #tpu.memory_space<vmem>>, vector<1x128xf32>
    %get3A_23 = arith.constant 0 : index
    %get3A_24 = arith.constant 0 : index
    %get3A_25 = vector.load %arg9[%get3A_23, %get3A_24] : memref<128x128xf32, #tpu.memory_space<vmem>>, vector<128x128xf32>
    %get3A_26 = arith.constant 0 : index
    %get3A_27 = arith.constant 0 : index
    %get3A_28 = vector.load %arg10[%get3A_26, %get3A_27] : memref<1x128xf32, #tpu.memory_space<vmem>>, vector<1x128xf32>
    %get3A_29 = arith.constant 0 : index
    %get3A_30 = arith.constant 0 : index
    %get3A_31 = vector.load %arg11[%get3A_29, %get3A_30] : memref<128x128xf32, #tpu.memory_space<vmem>>, vector<128x128xf32>
    %get3A_32 = arith.constant 0 : index
    %get3A_33 = arith.constant 0 : index
    %get3A_34 = vector.load %arg12[%get3A_32, %get3A_33] : memref<1x128xf32, #tpu.memory_space<vmem>>, vector<1x128xf32>
    %slice3A = vector.extract_strided_slice %add3A {offsets = [0, 0], sizes = [1000, 128], strides = [1, 1]} : vector<1000x144xf32> to vector<1000x128xf32>
    %dot_general3A = arith.constant dense<0.000000e+00> : vector<1000x128xf32>
    %dot_general3A_35 = tpu.matmul %add3A, %get3A_7, %dot_general3A {dimension_numbers = #tpu.dot_dimension_numbers<[1], [0], [0], [1], [0, 0, 1, 1], [], []>, precision = #tpu.contract_precision<fp32>, transpose_lhs_hint = false} : vector<1000x144xf32>, vector<144x128xf32>, vector<1000x128xf32> -> vector<1000x128xf32>
    %eq3A = arith.constant 0.000000e+00 : f32
    %eq3A_36 = vector.broadcast %eq3A : f32 to vector<1000x128xf32>
    %eq3A_37 = arith.cmpf oeq, %dot_general3A_35, %eq3A_36 : vector<1000x128xf32>
    %eq3A_38 = arith.constant 0.000000e+00 : f32
    %eq3A_39 = vector.broadcast %eq3A_38 : f32 to vector<1000x128xf32>
    %eq3A_40 = arith.cmpf oeq, %dot_general3A_35, %eq3A_39 : vector<1000x128xf32>
    %jit3A = arith.constant 1.000000e+00 : f32
    %broadcast_in_dim3A = vector.broadcast %jit3A : f32 to vector<1000x128xf32>
    %select_n3A = arith.select %eq3A_40, %broadcast_in_dim3A, %dot_general3A_35 : vector<1000x128xi1>, vector<1000x128xf32>
    %div3A = arith.divf %slice3A, %select_n3A : vector<1000x128xf32>
    %jit3A_41 = arith.constant 0.000000e+00 : f32
    %broadcast_in_dim3A_42 = vector.broadcast %jit3A_41 : f32 to vector<1000x128xf32>
    %select_n3A_43 = arith.select %eq3A_37, %broadcast_in_dim3A_42, %div3A : vector<1000x128xi1>, vector<1000x128xf32>
    %add3A_44 = vector.broadcast %get3A_10 : vector<1x128xf32> to vector<1000x128xf32>
    %add3A_45 = arith.addf %select_n3A_43, %add3A_44 : vector<1000x128xf32>
    %reduce_sum3A = arith.constant dense<0.000000e+00> : vector<1000xf32>
    %reduce_sum3A_46 = vector.multi_reduction <add>, %add3A_45, %reduce_sum3A [1] : vector<1000x128xf32> to vector<1000xf32>
    %broadcast_in_dim3A_47 = vector.shape_cast %reduce_sum3A_46 : vector<1000xf32> to vector<1000x1xf32>
    %div3A_48 = arith.constant 1.280000e+02 : f32
    %div3A_49 = vector.broadcast %div3A_48 : f32 to vector<1000x1xf32>
    %div3A_50 = arith.divf %broadcast_in_dim3A_47, %div3A_49 : vector<1000x1xf32>
    %jit3A_51 = arith.constant 0 : i32
    %reduce_sum3A_52 = arith.constant dense<0.000000e+00> : vector<1000xf32>
    %reduce_sum3A_53 = vector.multi_reduction <add>, %add3A_45, %reduce_sum3A_52 [1] : vector<1000x128xf32> to vector<1000xf32>
    %broadcast_in_dim3A_54 = vector.shape_cast %reduce_sum3A_53 : vector<1000xf32> to vector<1000x1xf32>
    %div3A_55 = arith.constant 1.280000e+02 : f32
    %div3A_56 = vector.broadcast %div3A_55 : f32 to vector<1000x1xf32>
    %div3A_57 = arith.divf %broadcast_in_dim3A_54, %div3A_56 : vector<1000x1xf32>
    %sub3A = vector.broadcast %div3A_57 : vector<1000x1xf32> to vector<1000x128xf32>
    %sub3A_58 = arith.subf %add3A_45, %sub3A : vector<1000x128xf32>
    %square3A = arith.mulf %sub3A_58, %sub3A_58 : vector<1000x128xf32>
    %convert_element_type3A = arith.sitofp %jit3A_51 : i32 to f32
    %sub3A_59 = arith.constant 1.280000e+02 : f32
    %sub3A_60 = arith.subf %sub3A_59, %convert_element_type3A : f32
    %reduce_sum3A_61 = arith.constant dense<0.000000e+00> : vector<1000xf32>
    %reduce_sum3A_62 = vector.multi_reduction <add>, %square3A, %reduce_sum3A_61 [1] : vector<1000x128xf32> to vector<1000xf32>
    %broadcast_in_dim3A_63 = vector.shape_cast %reduce_sum3A_62 : vector<1000xf32> to vector<1000x1xf32>
    %div3A_64 = vector.broadcast %sub3A_60 : f32 to vector<1000x1xf32>
    %div3A_65 = arith.divf %broadcast_in_dim3A_63, %div3A_64 : vector<1000x1xf32>
    %gt3A = arith.constant 0.000000e+00 : f32
    %gt3A_66 = arith.cmpf ogt, %sub3A_60, %gt3A : f32
    %jit3A_67 = arith.constant 0x7FC00000 : f32
    %broadcast_in_dim3A_68 = vector.broadcast %jit3A_67 : f32 to vector<1000x1xf32>
    %select_n3A_69 = arith.select %gt3A_66, %div3A_65, %broadcast_in_dim3A_68 : vector<1000x1xf32>
    %sub3A_70 = vector.broadcast %div3A_50 : vector<1000x1xf32> to vector<1000x128xf32>
    %sub3A_71 = arith.subf %add3A_45, %sub3A_70 : vector<1000x128xf32>
    %add3A_72 = arith.constant 9.99999974E-6 : f32
    %add3A_73 = vector.broadcast %add3A_72 : f32 to vector<1000x1xf32>
    %add3A_74 = arith.addf %select_n3A_69, %add3A_73 : vector<1000x1xf32>
    %sqrt3A = math.sqrt %add3A_74 : vector<1000x1xf32>
    %div3A_75 = vector.broadcast %sqrt3A : vector<1000x1xf32> to vector<1000x128xf32>
    %div3A_76 = arith.divf %sub3A_71, %div3A_75 : vector<1000x128xf32>
    %mul3A = vector.broadcast %get3A_13 : vector<1x128xf32> to vector<1000x128xf32>
    %mul3A_77 = arith.mulf %div3A_76, %mul3A : vector<1000x128xf32>
    %add3A_78 = vector.broadcast %get3A_16 : vector<1x128xf32> to vector<1000x128xf32>
    %add3A_79 = arith.addf %mul3A_77, %add3A_78 : vector<1000x128xf32>
    %dot_general3A_80 = arith.constant dense<0.000000e+00> : vector<1000x128xf32>
    %dot_general3A_81 = tpu.matmul %add3A_79, %get3A_25, %dot_general3A_80 {dimension_numbers = #tpu.dot_dimension_numbers<[1], [0], [0], [1], [0, 0, 1, 1], [], []>, precision = #tpu.contract_precision<fp32>, transpose_lhs_hint = false} : vector<1000x128xf32>, vector<128x128xf32>, vector<1000x128xf32> -> vector<1000x128xf32>
    %add3A_82 = vector.broadcast %get3A_28 : vector<1x128xf32> to vector<1000x128xf32>
    %add3A_83 = arith.addf %dot_general3A_81, %add3A_82 : vector<1000x128xf32>
    %max3A = arith.constant 0.000000e+00 : f32
    %max3A_84 = vector.broadcast %max3A : f32 to vector<1000x128xf32>
    %max3A_85 = arith.maximumf %add3A_83, %max3A_84 : vector<1000x128xf32>
    %dot_general3A_86 = arith.constant dense<0.000000e+00> : vector<1000x128xf32>
    %dot_general3A_87 = tpu.matmul %max3A_85, %get3A_31, %dot_general3A_86 {dimension_numbers = #tpu.dot_dimension_numbers<[1], [0], [0], [1], [0, 0, 1, 1], [], []>, precision = #tpu.contract_precision<fp32>, transpose_lhs_hint = false} : vector<1000x128xf32>, vector<128x128xf32>, vector<1000x128xf32> -> vector<1000x128xf32>
    %add3A_88 = vector.broadcast %get3A_34 : vector<1x128xf32> to vector<1000x128xf32>
    %add3A_89 = arith.addf %dot_general3A_87, %add3A_88 : vector<1000x128xf32>
    %max3A_90 = arith.constant 0.000000e+00 : f32
    %max3A_91 = vector.broadcast %max3A_90 : f32 to vector<1000x128xf32>
    %max3A_92 = arith.maximumf %add3A_89, %max3A_91 : vector<1000x128xf32>
    %add3A_93 = arith.addf %add3A_79, %max3A_92 : vector<1000x128xf32>
    %reduce_sum3A_94 = arith.constant dense<0.000000e+00> : vector<1000xf32>
    %reduce_sum3A_95 = vector.multi_reduction <add>, %add3A_93, %reduce_sum3A_94 [1] : vector<1000x128xf32> to vector<1000xf32>
    %broadcast_in_dim3A_96 = vector.shape_cast %reduce_sum3A_95 : vector<1000xf32> to vector<1000x1xf32>
    %div3A_97 = arith.constant 1.280000e+02 : f32
    %div3A_98 = vector.broadcast %div3A_97 : f32 to vector<1000x1xf32>
    %div3A_99 = arith.divf %broadcast_in_dim3A_96, %div3A_98 : vector<1000x1xf32>
    %jit3A_100 = arith.constant 0 : i32
    %reduce_sum3A_101 = arith.constant dense<0.000000e+00> : vector<1000xf32>
    %reduce_sum3A_102 = vector.multi_reduction <add>, %add3A_93, %reduce_sum3A_101 [1] : vector<1000x128xf32> to vector<1000xf32>
    %broadcast_in_dim3A_103 = vector.shape_cast %reduce_sum3A_102 : vector<1000xf32> to vector<1000x1xf32>
    %div3A_104 = arith.constant 1.280000e+02 : f32
    %div3A_105 = vector.broadcast %div3A_104 : f32 to vector<1000x1xf32>
    %div3A_106 = arith.divf %broadcast_in_dim3A_103, %div3A_105 : vector<1000x1xf32>
    %sub3A_107 = vector.broadcast %div3A_106 : vector<1000x1xf32> to vector<1000x128xf32>
    %sub3A_108 = arith.subf %add3A_93, %sub3A_107 : vector<1000x128xf32>
    %square3A_109 = arith.mulf %sub3A_108, %sub3A_108 : vector<1000x128xf32>
    %convert_element_type3A_110 = arith.sitofp %jit3A_100 : i32 to f32
    %sub3A_111 = arith.constant 1.280000e+02 : f32
    %sub3A_112 = arith.subf %sub3A_111, %convert_element_type3A_110 : f32
    %reduce_sum3A_113 = arith.constant dense<0.000000e+00> : vector<1000xf32>
    %reduce_sum3A_114 = vector.multi_reduction <add>, %square3A_109, %reduce_sum3A_113 [1] : vector<1000x128xf32> to vector<1000xf32>
    %broadcast_in_dim3A_115 = vector.shape_cast %reduce_sum3A_114 : vector<1000xf32> to vector<1000x1xf32>
    %div3A_116 = vector.broadcast %sub3A_112 : f32 to vector<1000x1xf32>
    %div3A_117 = arith.divf %broadcast_in_dim3A_115, %div3A_116 : vector<1000x1xf32>
    %gt3A_118 = arith.constant 0.000000e+00 : f32
    %gt3A_119 = arith.cmpf ogt, %sub3A_112, %gt3A_118 : f32
    %jit3A_120 = arith.constant 0x7FC00000 : f32
    %broadcast_in_dim3A_121 = vector.broadcast %jit3A_120 : f32 to vector<1000x1xf32>
    %select_n3A_122 = arith.select %gt3A_119, %div3A_117, %broadcast_in_dim3A_121 : vector<1000x1xf32>
    %sub3A_123 = vector.broadcast %div3A_99 : vector<1000x1xf32> to vector<1000x128xf32>
    %sub3A_124 = arith.subf %add3A_93, %sub3A_123 : vector<1000x128xf32>
    %add3A_125 = arith.constant 9.99999974E-6 : f32
    %add3A_126 = vector.broadcast %add3A_125 : f32 to vector<1000x1xf32>
    %add3A_127 = arith.addf %select_n3A_122, %add3A_126 : vector<1000x1xf32>
    %sqrt3A_128 = math.sqrt %add3A_127 : vector<1000x1xf32>
    %div3A_129 = vector.broadcast %sqrt3A_128 : vector<1000x1xf32> to vector<1000x128xf32>
    %div3A_130 = arith.divf %sub3A_124, %div3A_129 : vector<1000x128xf32>
    %mul3A_131 = vector.broadcast %get3A_19 : vector<1x128xf32> to vector<1000x128xf32>
    %mul3A_132 = arith.mulf %div3A_130, %mul3A_131 : vector<1000x128xf32>
    %add3A_133 = vector.broadcast %get3A_22 : vector<1x128xf32> to vector<1000x128xf32>
    %add3A_134 = arith.addf %mul3A_132, %add3A_133 : vector<1000x128xf32>
    %max3A_135 = arith.constant 0.000000e+00 : f32
    %max3A_136 = vector.broadcast %max3A_135 : f32 to vector<1000x128xf32>
    %max3A_137 = arith.maximumf %add3A_134, %max3A_136 : vector<1000x128xf32>
    %swap3A = arith.constant 0 : index
    %swap3A_138 = arith.constant 0 : index
    %swap3A_139 = vector.load %arg13[%swap3A, %swap3A_138] : memref<1000x128xf32, #tpu.memory_space<vmem>>, vector<1000x128xf32>
    tpu.vector_store %arg13[%swap3A, %swap3A_138], %max3A_137 {strides = array<i32>} : memref<1000x128xf32, #tpu.memory_space<vmem>>, vector<1000x128xf32>,
    return
  }
  func.func @transform_0(%arg0: i32) -> (i32, i32) {
    %c0_i32 = arith.constant 0 : i32
    %c0_i32_0 = arith.constant 0 : i32
    return %arg0, %c0_i32 : i32, i32
  }
  func.func @transform_1(%arg0: i32) -> (i32, i32) {
    %c0_i32 = arith.constant 0 : i32
    %c0_i32_0 = arith.constant 0 : i32
    return %arg0, %c0_i32 : i32, i32
  }
  func.func @transform_2(%arg0: i32) -> (i32, i32) {
    %c0_i32 = arith.constant 0 : i32
    %c0_i32_0 = arith.constant 0 : i32
    %c0_i32_1 = arith.constant 0 : i32
    return %c0_i32, %c0_i32_0 : i32, i32
  }
  func.func @transform_3(%arg0: i32) -> (i32, i32) {
    %c0_i32 = arith.constant 0 : i32
    %c0_i32_0 = arith.constant 0 : i32
    %c0_i32_1 = arith.constant 0 : i32
    return %c0_i32, %c0_i32_0 : i32, i32
  }
  func.func @transform_4(%arg0: i32) -> (i32, i32) {
    %c0_i32 = arith.constant 0 : i32
    %c0_i32_0 = arith.constant 0 : i32
    %c0_i32_1 = arith.constant 0 : i32
    return %c0_i32, %c0_i32_0 : i32, i32
  }
  func.func @transform_5(%arg0: i32) -> (i32, i32) {
    %c0_i32 = arith.constant 0 : i32
    %c0_i32_0 = arith.constant 0 : i32
    %c0_i32_1 = arith.constant 0 : i32
    return %c0_i32, %c0_i32_0 : i32, i32
  }
  func.func @transform_6(%arg0: i32) -> (i32, i32) {
    %c0_i32 = arith.constant 0 : i32
    %c0_i32_0 = arith.constant 0 : i32
    %c0_i32_1 = arith.constant 0 : i32
    return %c0_i32, %c0_i32_0 : i32, i32
  }
  func.func @transform_7(%arg0: i32) -> (i32, i32) {
    %c0_i32 = arith.constant 0 : i32
    %c0_i32_0 = arith.constant 0 : i32
    %c0_i32_1 = arith.constant 0 : i32
    return %c0_i32, %c0_i32_0 : i32, i32
  }
  func.func @transform_8(%arg0: i32) -> (i32, i32) {
    %c0_i32 = arith.constant 0 : i32
    %c0_i32_0 = arith.constant 0 : i32
    %c0_i32_1 = arith.constant 0 : i32
    return %c0_i32, %c0_i32_0 : i32, i32
  }
  func.func @transform_9(%arg0: i32) -> (i32, i32) {
    %c0_i32 = arith.constant 0 : i32
    %c0_i32_0 = arith.constant 0 : i32
    %c0_i32_1 = arith.constant 0 : i32
    return %c0_i32, %c0_i32_0 : i32, i32
  }
  func.func @transform_10(%arg0: i32) -> (i32, i32) {
    %c0_i32 = arith.constant 0 : i32
    %c0_i32_0 = arith.constant 0 : i32
    %c0_i32_1 = arith.constant 0 : i32
    return %c0_i32, %c0_i32_0 : i32, i32
  }
  func.func @transform_11(%arg0: i32) -> (i32, i32) {
    %c0_i32 = arith.constant 0 : i32
    %c0_i32_0 = arith.constant 0 : i32
    %c0_i32_1 = arith.constant 0 : i32
    return %c0_i32, %c0_i32_0 : i32, i32
  }
  func.func @transform_12(%arg0: i32) -> (i32, i32) {
    %c0_i32 = arith.constant 0 : i32
    %c0_i32_0 = arith.constant 0 : i32
    return %arg0, %c0_i32 : i32, i32
  }
}

</mosaic_0001>

<sc_bundles>
// kernel: kernel.10.cloned.1.call-start
scs
__scs_entry_jumppad:
0x0: {  	(pc) =	sbr.rel $0x88, $3  }
0x1: {  	(tag) =	ssettag $0x0;
	lr =	simm.s32 $0x1  }
0x2: {  	[smem:$0x3F89] =	sst lr;
	_ =	strace $0xD0000000  }
0x3: {  	_ = 	snop  }
0x4: {  	_ = 	snop  }
0x5: {  	_ = 	snop  }
0x6: {  	_ = 	snop  }
0x7: {  	_ = 	snop  }
__scs_overlays_trampoline_lowered:
0x8: {  	[smem:$0x3F98] =	sst s0  }
0x9: {  	[smem:$0x3F99] =	sst s1  }
0xa: {  	[smem:$0x3F9A] =	sst s2  }
0xb: {  	[smem:$0x3F9B] =	sst s3  }
0xc: {  	[smem:$0x3F9C] =	sst s4  }
0xd: {  	[smem:$0x3F9D] =	sst s5  }
0xe: {  	[smem:$0x3F9E] =	sst s6  }
0xf: {  	[smem:$0x3F9F] =	sst s7  }
0x10: {  	[smem:$0x3FA0] =	sst s8  }
0x11: {  	[smem:$0x3FA1] =	sst s9;
	s0 =	simm.s32 @!p0 $0x0  }
0x12: {  	s1 =	sld [smem:$0x3F87];
	s0 =	simm.s32 @p0 $0x1  }
0x13: {  	[smem:$0x3FA2] =	sst s0;
	s0 =	simm.s32 @!p1 $0x0  }
0x14: {  	s2 =	sld [smem:$0x3F86];
	s0 =	simm.s32 @p1 $0x1  }
0x15: {  	[smem:$0x3FA3] =	sst s0;
	s0 =	simm.s32 @!p2 $0x0  }
0x16: {  	s3 =	sld [smem:$0x3FDB];
	s0 =	simm.s32 @p2 $0x1  }
0x17: {  	s4 =	simm.s32 $0x1BF5;
	[smem:$0x3FA5] =	sst s0  }
0x18: {  	s0 =	sld [smem:$0x3F88];
	_ =	swait.ge [sflag:s4], $0x0  }
0x19: {  	s7 =	sld [smem:$0x3F89]  }
0x1a: {  	s8 =	sadd.s32 $0xFFFFE003, lr  }
0x1b: {  	s9 =	sadd.s32 $0xFFFFFEF7, lr;
	s5 =	simm.s32 $0xFFFFFFFF;
	p2 =	slt.u32 s8, $0xFFFFF086  }
0x1c: {  	p1 =	slt.u32 s9, $0xF7A;
	s5 =	simm.s32 @!p2 $0x0  }
0x1d: {  	s5 =	simm.s32 @p1 $0x1;
	p0 =	seq.s32 s7, s2  }
0x1e: {  	s7 =	smul.u32 @!p0 $0xF7A, s2;
	p2 =	seq.s32 @!p0 s5, $0x0  }
0x1f: {  	s9 =	smul.u32 $0xF7A, s1;
	s8 =	simm.s32 @!p0 $0x1BF5;
	p2 =	por !p2, p0  }
0x20: {  	[sflag:s8] =	ssyncset.s32 @!p0 $0xFFFFF086;
	s6 =	sadd.s32 @!p0 s3, s7;
	s7 =	simm.s32 @!p0 $0x108  }
0x21: {  	s3 =	sadd.s32 s3, s9;
	s6 =	sadd.s32 @!p0 $0x88, s6;
	s7 =	simm.s32 @p2 $0x1082  }
0x22: {  	[simem:s7], [sflag:s8] =	dma.local @!p0 [hbm:s6], $0xF7A  }
0x23: {  	s9 =	sor.u32 $0xD0000000, s2;
	s6 =	simm.s32 $0x108;
	_ =	swait.ge @!p0 [sflag:s8], $0x0  }
0x24: {  	s3 =	sadd.s32 $0x88, s3;
	s6 =	simm.s32 @!p1 $0x1082;
	[sflag:s4] =	ssyncset.s32 $0xFFFFF086  }
0x25: {  	[simem:s6], [sflag:s4] =	dma.local [hbm:s3], $0xF7A  }
0x26: {  	[smem:$0x3F89] =	sst s1;
	(tag) =	ssettag s2;
	_ =	strace s9  }
0x27: {  	s1 =	sld [smem:$0x3F99]  }
0x28: {  	s2 =	sld [smem:$0x3F9A]  }
0x29: {  	s4 =	sld [smem:$0x3F9C]  }
0x2a: {  	p0 =	seq.s32 s5, $0x0;
	s5 =	sld [smem:$0x3F9D]  }
0x2b: {  	s6 =	sld [smem:$0x3F9E]  }
0x2c: {  	s7 =	sld [smem:$0x3F9F]  }
0x2d: {  	s3 =	simm.s32 $0x108;
	s8 =	sld [smem:$0x3FA0]  }
0x2e: {  	s3 =	simm.s32 @!p0 $0x1082;
	s9 =	sld [smem:$0x3FA1]  }
0x2f: {  	lr =	sadd.s32 s0, s3;
	s0 =	sld [smem:$0x3F98]  }
0x30: {  	s3 =	sld [smem:$0x3F9B]  }
0x31: {  	[smem:$0x3FA4] =	sst s10  }
0x32: {  	s10 =	sld [smem:$0x3FA2];
	_ =	sdelay $0x3  }
0x33: {  	p0 =	seq.s32 s10, $0x1;
	s10 =	sld [smem:$0x3FA4];
	_ =	sdelay $0x3  }
0x34: {  	[smem:$0x3FA4] =	sst s10  }
0x35: {  	s10 =	sld [smem:$0x3FA3];
	_ =	sdelay $0x3  }
0x36: {  	p1 =	seq.s32 s10, $0x1;
	s10 =	sld [smem:$0x3FA4];
	_ =	sdelay $0x3  }
0x37: {  	[smem:$0x3FA4] =	sst s10  }
0x38: {  	s10 =	sld [smem:$0x3FA5]  }
0x39: {  	_ = 	snop;
	(pc) =	sbr.ind lr, $3  }
0x3a: {  	_ = 	snop  }
0x3b: {  	_ = 	snop  }
0x3c: {  	p2 =	seq.s32 s10, $0x1;
	s10 =	sld [smem:$0x3FA4]  }
0x3d: {  	_ =	shalt  }
0x3e: {  	_ =	shalt  }
0x3f: {  	_ =	shalt  }
0x40: {  	_ =	shalt  }
0x41: {  	_ =	shalt  }
0x42: {  	_ =	shalt  }
0x43: {  	_ =	shalt  }
0x44: {  	_ =	shalt  }
0x45: {  	_ =	shalt  }
0x46: {  	_ =	shalt  }
0x47: {  	_ =	shalt  }
0x48: {  	_ =	shalt  }
0x49: {  	_ =	shalt  }
0x4a: {  	_ =	shalt  }
0x4b: {  	_ =	shalt  }
0x4c: {  	_ =	shalt  }
0x4d: {  	_ =	shalt  }
0x4e: {  	_ =	shalt  }
0x4f: {  	_ =	shalt  }
0x50: {  	_ =	shalt  }
0x51: {  	_ =	shalt  }
0x52: {  	_ =	shalt  }
0x53: {  	_ =	shalt  }
0x54: {  	_ =	shalt  }
0x55: {  	_ =	shalt  }
0x56: {  	_ =	shalt  }
0x57: {  	_ =	shalt  }
0x58: {  	_ =	shalt  }
0x59: {  	_ =	shalt  }
0x5a: {  	_ =	shalt  }
0x5b: {  	_ =	shalt  }
0x5c: {  	_ =	shalt  }
0x5d: {  	_ =	shalt  }
0x5e: {  	_ =	shalt  }
0x5f: {  	_ =	shalt  }
0x60: {  	_ =	shalt  }
0x61: {  	_ =	shalt  }
0x62: {  	_ =	shalt  }
0x63: {  	_ =	shalt  }
0x64: {  	_ =	shalt  }
0x65: {  	_ =	shalt  }
0x66: {  	_ =	shalt  }
0x67: {  	_ =	shalt  }
0x68: {  	_ =	shalt  }
0x69: {  	_ =	shalt  }
0x6a: {  	_ =	shalt  }
0x6b: {  	_ =	shalt  }
0x6c: {  	_ =	shalt  }
0x6d: {  	_ =	shalt  }
0x6e: {  	_ =	shalt  }
0x6f: {  	_ =	shalt  }
0x70: {  	_ =	shalt  }
0x71: {  	_ =	shalt  }
0x72: {  	_ =	shalt  }
0x73: {  	_ =	shalt  }
0x74: {  	_ =	shalt  }
0x75: {  	_ =	shalt  }
0x76: {  	_ =	shalt  }
0x77: {  	_ =	shalt  }
0x78: {  	_ =	shalt  }
0x79: {  	_ =	shalt  }
0x7a: {  	_ =	shalt  }
0x7b: {  	_ =	shalt  }
0x7c: {  	_ =	shalt  }
0x7d: {  	_ =	shalt  }
0x7e: {  	_ =	shalt  }
0x7f: {  	_ =	shalt  }
0x80: {  	_ =	shalt  }
0x81: {  	_ =	shalt  }
0x82: {  	_ =	shalt  }
0x83: {  	_ =	shalt  }
0x84: {  	_ =	shalt  }
0x85: {  	_ =	shalt  }
0x86: {  	_ =	shalt  }
0x87: {  	_ =	shalt  }
.Lfunc_end0:
.L_simem_size_0:
called_computation.1_lowered:
.L_overlay_start_0:
0x88: {  	s2 =	sld [smem:$0x3FD9]  }
0x89: {  	s3 =	sld [smem:$0x3FFE];
	_ =	sdelay $0x1  }
0x8a: {  	s1 =	srdreg.scid  }
0x8b: {  	s0 =	sand.u32 $0x1, s1  }
0x8c: {  	s14 =	sshll.u32 s0, $0xA;
	s2 =	sadd.s32 s3, s2  }
0x8d: {  	s2 =	sadd.s32 s2, s14  }
0x8e: {  	[smem:$0x3FB0] =	sst s2  }
0x8f: {  	_ = 	snop  }
0x90: {  	s2 =	sld [smem:$0x3FD0];
	_ =	sdelay $0x2  }
0x91: {  	s15 =	simm.s32 $0xA;
	s4 =	simm.s32 $0x10  }
0x92: {  	[smem:s4], [sflag:s15] =	dma.local [hbm:s2], $0x1  }
0x93: {  	_ =	swait.eq [sflag:s15], $0x1  }
0x94: {  	[sflag:s15] =	ssyncset.done $0x0  }
0x95: {  	[sflag:s15] =	ssyncadd.s32 $0xFFFFFFFF  }
0x96: {  	s16 =	sld [smem:$0x10];
	(tm) =	ssettm $0x1  }
0x97: {  	s17 =	sld [smem:$0x3FFB];
	_ =	sdelay $0x3  }
0x98: {  	_ =	strace s17  }
0x99: {  	s3 =	sld [smem:$0x3FFC];
	_ =	sdelay $0x3  }
0x9a: {  	_ =	strace s3  }
0x9b: {  	s3 =	sld [smem:$0x3FFD];
	_ =	sdelay $0x3  }
0x9c: {  	_ =	strace s3  }
0x9d: {  	_ =	strace $0x8FFFFFFF  }
0x9e: {  	s18 =	sld [smem:$0x3FDB];
	_ =	sdelay $0x1  }
0x9f: {  	s19 =	simm.s32 $_scs_section_size  }
0xa0: {  	s5 =	simm.s32 $_size__tile_overlayer_lowered;
	s6 =	simm.s32 $_tile_overlayer_lowered  }
0xa1: {  	s22 =	simm.s32 $0x1BFF;
	s21 =	sshll.u32 s6, $0x1;
	s3 =	sadd.s32 s19, s18  }
0xa2: {  	s7 =	simm.s32 $0x0;
	s20 =	sshll.u32 s5, $0x1;
	s5 =	sadd.s32 s21, s3  }
0xa3: {  	[timem:s7], [sflag:s22] =	dma.local [hbm:s5], s20  }
0xa4: {  	_ =	swait.ge [sflag:s22], s20  }
0xa5: {  	s4 =	ssub.s32 $0x0, s20;
	[sflag:s22] =	ssyncset.done $0x0  }
0xa6: {  	[sflag:s22] =	ssyncadd.s32 s4;
	_ =	sdelay $0x1  }
0xa7: {  	s23 =	simm.s32 $0x1B8B  }
0xa8: {  	_ =	swait.ge [sflag:s23], $0x1  }
0xa9: {  	[sflag:s23] =	ssyncset.done $0x0  }
0xaa: {  	s25 =	simm.s32 $0x1B8E;
	s24 =	sld [smem:$0x3FFE];
	[sflag:s23] =	ssyncadd.s32 $0xFFFFFFFF  }
0xab: {  	s26 =	simm.s32 $execute0_lowered;
	[smem:$0x3FD2] =	sst s25  }
0xac: {  	s5 =	sshll.u32 s26, $0x1;
	_ =	strace $0x80000049;
	[dreg:$0x1] =	wrdreg $0xFFFFFFFF  }
0xad: {  	s28 =	simm.s32 $_size_execute0_lowered;
	s3 =	sadd.s32 s3, s5;
	[dreg:$0x0] =	wrdreg $0x0  }
0xae: {  	s5 =	sshll.u32 s28, $0x1;
	[dreg:$0x2] =	wrdreg s3  }
0xaf: {  	[dreg:$0x3] =	wrdreg s5  }
0xb0: {  	[dreg:$0x4] =	wrdreg $0xC0  }
0xb1: {  	_ =	task [dreg:s7], $0x5FFFF  }
0xb2: {  	[dreg:$0x1] =	wrdreg $0xFFFFFFFF  }
0xb3: {  	[dreg:$0x0] =	wrdreg $0x60  }
0xb4: {  	[dreg:$0x2] =	wrdreg s24  }
0xb5: {  	[dreg:$0x3] =	wrdreg s16  }
0xb6: {  	[dreg:$0x4] =	wrdreg $0x5B400  }
0xb7: {  	[dreg:$0x5] =	wrdreg $0x9  }
0xb8: {  	_ =	task.clear_ibuf [dreg:s7], $0x6FFFF;
	_ =	strace $0x90000049  }
0xb9: {  	s29 =	simm.s32 $0x9;
	_ =	strace $0x8000004B  }
0xba: {  	_ =	swait.ge [sflag:s29], $0x1  }
0xbb: {  	[sflag:s29] =	ssyncadd.s32 $0xFFFFFFFF  }
0xbc: {  	_ =	strace $0x9000004B  }
0xbd: {  	_ =	sfence  }
0xbe: {  	s30 =	sld [smem:$0x0];
	_ =	sdelay $0x2  }
0xbf: {  	s31 =	sshll.u32 s1, $0xD;
	s1 =	sshrl.u32 s1, $0x2  }
0xc0: {  	s3 =	sand.u32 $0x4000, s31;
	s1 =	sadd.s32 s1, s30  }
0xc1: {  	s0 =	sor.u32 s3, s0;
	s1 =	sshll.u32 s1, $0x11  }
0xc2: {  	s0 =	sor.u32 s1, s0  }
0xc3: {  	s0 =	sadd.s32 $0x8F2B, s0  }
0xc4: {  	[sflag:s0] =	ssyncadd.remote.s32 $0x1  }
0xc5: {  	_ =	sfence.sel $0xFFFF  }
0xc6: {  	[dreg:$0x0] =	wrdreg $0xFFFFFFFF;
	(pc) =	sbr.abs _section_cstart, $3  }
0xc7: {  	[dreg:$0x1] =	wrdreg $0xFFFFFFFF  }
0xc8: {  	_ =	task.clear_ibuf [dreg:s7], $0x2FFFF;
	_ =	strace $0x9FFFFFFF  }
0xc9: {  	(tm) =	ssettm $0x7FFFFFFF  }
tec
execute0_lowered:
.L_overlay_start_1:
0x0: {  	(tag) =	ssettag $0x1  }
0x1: {  	s0 =	rddreg [dreg:$0x0]  }
0x2: {  	s1 =	rddreg [dreg:$0x1]  }
0x3: {  	s2 =	rddreg [dreg:$0x2];
	s3 =	simm.s32 $0x0  }
0x4: {  	s4 =	srdreg.scid;
	s19 =	stileid.u32;
	s31 =	simm.s32 $0xA0  }
0x5: {  	[smem:$0x7FF] =	sst s3;
	s4 =	sand.u32 $0x1, s4;
	s8 =	smul.u32 $0x280, s19  }
0x6: {  	s5 =	sadd.s32 $0xCA00, s0;
	s10 =	sadd.s32 $0x38A00, s0;
	s11 =	smul.u32 $0x5A000, s19  }
0x7: {  	s21 =	smul.u32 $0x2710, s19;
	_ =	strace $0x8000004A;
	s6 =	sshll.u32 s4, $0x4  }
0x8: {  	s9 =	ssub.s32 $0x2, s4;
	[dreg:$0x4] =	wrdreg s10;
	s25 =	smul.u32 $0x2800, s4  }
0x9: {  	s4 =	smul.u32 $0x27100, s4;
	s7 =	sor.u32 s19, s6;
	s6 =	sadd.s32 $0x2C00, s0  }
0xa: {  	s0 =	sadd.s32 $0x39000, s0;
	s22 =	sshrl.u32 s9, $0x1;
	s16 =	sor.u32 $0x50, s8  }
0xb: {  	s17 =	sadd.s32 $0xA0, s8;
	s12 =	sshrl.u32 s11, $0x2;
	s28 =	sadd.s32 $0x21C00, s11  }
0xc: {  	s15 =	sadd.s32 $0x2D000, s11;
	s30 =	sadd.s32 $0x38400, s11;
	s7 =	smul.u32 $0x2710, s7  }
0xd: {  	s18 =	sadd.s32 $0x43800, s11;
	s11 =	sadd.s32 $0x4EC00, s11;
	s24 =	smul.u32 $0x240, s16  }
0xe: {  	s9 =	ssub.s32 s9, s22;
	s14 =	smul.u32 $0x240, s17;
	s10 =	sadd.s32 s12, s2  }
0xf: {  	s29 =	sshrl.u32 s28, $0x2;
	s15 =	sshrl.u32 s15, $0x2;
	s8 =	sadd.s32 s25, s8  }
0x10: {  	s16 =	sadd.s32 s25, s16;
	s18 =	sshrl.u32 s18, $0x2;
	s22 =	sshrl.u32 s11, $0x2  }
0x11: {  	s4 =	sadd.s32 s21, s4;
	s11 =	simm.s32 $0x1;
	s21 =	simm.s32 $0x0  }
0x12: {  	s9 =	smax.u32 s9, $0x1;
	s15 =	sadd.s32 s15, s2;
	s8 =	smul.u32 $0x12, s8  }
0x13: {  	s20 =	smul.u32 $0x12, s16;
	s7 =	sshrl.u32 s7, $0x3;
	s13 =	sshrl.u32 s24, $0x2  }
0x14: {  	[dreg:$0x7] =	wrdreg s9;
	s26 =	sshrl.u32 s14, $0x2;
	s14 =	sadd.s32 s29, s2  }
0x15: {  	s9 =	sshrl.u32 s30, $0x2;
	s24 =	sadd.s32 $0x50, s4;
	s23 =	sadd.s32 s1, s7  }
0x16: {  	s7 =	sadd.s32 s6, s7;
	s12 =	sadd.s32 s13, s2;
	s13 =	sadd.s32 s26, s2  }
0x17: {  	s16 =	sadd.s32 s9, s2;
	s8 =	sadd.s32 s0, s8;
	[dreg:$0x5] =	wrdreg s23  }
0x18: {  	s9 =	simm.s32 $0x2E40;
	[dreg:$0x6] =	wrdreg s7;
	s7 =	sadd.s32 s25, s17  }
0x19: {  	s17 =	sadd.s32 s18, s2;
	s23 =	sadd.s32 s0, s20;
	[dreg:$0x8] =	wrdreg s8  }
0x1a: {  	s18 =	sadd.s32 s22, s2;
	s25 =	sadd.s32 $0x10E0, s8;
	[dreg:$0x9] =	wrdreg s23  }
0x1b: {  	s26 =	sadd.s32 $0x1680, s8;
	s28 =	sadd.s32 $0x1C20, s8;
	[dreg:$0xb] =	wrdreg s25  }
0x1c: {  	s29 =	sadd.s32 $0x21C0, s8;
	s30 =	sadd.s32 $0x2760, s8;
	[dreg:$0xc] =	wrdreg s26  }
0x1d: {  	s8 =	simm.s32 $0x2DF0;
	s7 =	smul.u32 $0x12, s7;
	[dreg:$0xd] =	wrdreg s28  }
0x1e: {  	s20 =	simm.s32 $0x2;
	s23 =	sadd.s32 $0xA0, s4;
	[dreg:$0xe] =	wrdreg s29  }
0x1f: {  	[dreg:$0xf] =	wrdreg s30;
	s4 =	simm.s32 $0x50;
	s0 =	sadd.s32 s0, s7  }
0x20: {  	s7 =	simm.s32 $0x2DA0;
	[dreg:$0xa] =	wrdreg s0;
	s0 =	sshrl.u32 s24, $0x3  }
0x21: {  	s24 =	sadd.s32 s0, s6;
	s25 =	sadd.s32 s0, s1;
	s0 =	simm.s32 $0x3  }
.LBB2_1:
0x22: {  	s19 =	rddreg [dreg:$0x4]  }
0x23: {  	[tilespmem:s31], [sflag:$0x3] =	stream.linear.gather [hbm4b:s19+s3], $0x2D00, $0x38;
	[tilespmem:$0x1C340] =	vst v63  }
0x24: {  	_ =	swait.ge [sflag:s0], $0x2D00  }
0x25: {  	[sflag:s0] =	ssyncset.done $0x0  }
0x26: {  	[sflag:s0] =	ssyncadd.s32 $0xFFFFD300  }
0x27: {  	[spmem:s10] =	stream.linear.scatter [tilespmem:s31], [sflag:$0x3], $0x2D00, $0x38;
	[tilespmem:$0x1C340] =	vst v63  }
0x28: {  	_ =	swait.ge [sflag:s0], $0x2D00  }
0x29: {  	[sflag:s0] =	ssyncset.done $0x0  }
0x2a: {  	[sflag:s0] =	ssyncadd.s32 $0xFFFFD300  }
0x2b: {  	[spmem:s12] =	stream.linear.scatter [tilespmem:s31], [sflag:$0x3], $0x2D00, $0x38;
	[tilespmem:$0x1C340] =	vst v63  }
0x2c: {  	_ =	swait.ge [sflag:s0], $0x2D00  }
0x2d: {  	[sflag:s0] =	ssyncset.done $0x0  }
0x2e: {  	[sflag:s0] =	ssyncadd.s32 $0xFFFFD300  }
0x2f: {  	[spmem:s13] =	stream.linear.scatter [tilespmem:s31], [sflag:$0x3], $0x2D00, $0x38;
	[tilespmem:$0x1C340] =	vst v63  }
0x30: {  	_ =	swait.ge [sflag:s0], $0x2D00  }
0x31: {  	[sflag:s0] =	ssyncset.done $0x0  }
0x32: {  	[sflag:s0] =	ssyncadd.s32 $0xFFFFD300  }
0x33: {  	[spmem:s14] =	stream.linear.scatter [tilespmem:s31], [sflag:$0x3], $0x2D00, $0x38;
	[tilespmem:$0x1C340] =	vst v63  }
0x34: {  	_ =	swait.ge [sflag:s0], $0x2D00  }
0x35: {  	[sflag:s0] =	ssyncset.done $0x0  }
0x36: {  	[sflag:s0] =	ssyncadd.s32 $0xFFFFD300  }
0x37: {  	[spmem:s15] =	stream.linear.scatter [tilespmem:s31], [sflag:$0x3], $0x2D00, $0x38;
	[tilespmem:$0x1C340] =	vst v63  }
0x38: {  	_ =	swait.ge [sflag:s0], $0x2D00  }
0x39: {  	[sflag:s0] =	ssyncset.done $0x0  }
0x3a: {  	[sflag:s0] =	ssyncadd.s32 $0xFFFFD300  }
0x3b: {  	[spmem:s16] =	stream.linear.scatter [tilespmem:s31], [sflag:$0x3], $0x2D00, $0x38;
	[tilespmem:$0x1C340] =	vst v63  }
0x3c: {  	_ =	swait.ge [sflag:s0], $0x2D00  }
0x3d: {  	[sflag:s0] =	ssyncset.done $0x0  }
0x3e: {  	[sflag:s0] =	ssyncadd.s32 $0xFFFFD300  }
0x3f: {  	[spmem:s17] =	stream.linear.scatter [tilespmem:s31], [sflag:$0x3], $0x2D00, $0x38;
	[tilespmem:$0x1C340] =	vst v63  }
0x40: {  	_ =	swait.ge [sflag:s0], $0x2D00  }
0x41: {  	[sflag:s0] =	ssyncset.done $0x0  }
0x42: {  	[sflag:s0] =	ssyncadd.s32 $0xFFFFD300  }
0x43: {  	[spmem:s18] =	stream.linear.scatter [tilespmem:s31], [sflag:$0x3], $0x2D00, $0x38;
	[tilespmem:$0x1C340] =	vst v63  }
0x44: {  	_ =	swait.ge [sflag:s0], $0x2D00  }
0x45: {  	[sflag:s0] =	ssyncset.done $0x0  }
0x46: {  	[sflag:s0] =	ssyncadd.s32 $0xFFFFD300  }
0x47: {  	[bflag:$0x0] =	sbarrier.arrive $0xFFFF  }
0x48: {  	s22 =	rddreg [dreg:$0x5]  }
0x49: {  	[tilespmem:s3], [sflag:$0x3] =	stream.linear.gather [hbm4b:s22+s3], $0x50, $0x38;
	[tilespmem:$0x1C340] =	vst v63  }
0x4a: {  	_ =	swait.ge [sflag:s0], $0x50  }
0x4b: {  	[sflag:s0] =	ssyncset.done $0x0  }
0x4c: {  	s26 =	rddreg [dreg:$0x6];
	[sflag:s0] =	ssyncadd.s32 $0xFFFFFFB0  }
0x4d: {  	[tilespmem:s4], [sflag:$0x3] =	stream.linear.gather [hbm4b:s26+s3], $0x50, $0x38;
	[tilespmem:$0x1C340] =	vst v63  }
0x4e: {  	_ =	swait.ge [sflag:s0], $0x50  }
0x4f: {  	[sflag:s0] =	ssyncset.done $0x0  }
0x50: {  	[sflag:s0] =	ssyncadd.s32 $0xFFFFFFB0  }
0x51: {  	[tilespmem:s31], [sflag:$0x1] =	stream.indirect.gather [hbm4b:s5+s4], $0x90, s3, s4, $0xb8;
	[tilespmem:$0x1C340] =	vst v63  }
0x52: {  	s22 =	sadd.s32 $0x0, s25  }
0x53: {  	[tilespmem:s7], [sflag:$0x3] =	stream.linear.gather [hbm4b:s22+s3], $0x50, $0x38;
	[tilespmem:$0x1C340] =	vst v63  }
0x54: {  	_ =	swait.ge [sflag:s0], $0x50  }
0x55: {  	[sflag:s0] =	ssyncset.done $0x0  }
0x56: {  	s29 =	sadd.s32 $0x0, s24;
	[sflag:s0] =	ssyncadd.s32 $0xFFFFFFB0  }
0x57: {  	[tilespmem:s8], [sflag:$0x3] =	stream.linear.gather [hbm4b:s29+s3], $0x50, $0x38;
	[tilespmem:$0x1C340] =	vst v63  }
0x58: {  	_ =	swait.ge [sflag:s0], $0x50  }
0x59: {  	[sflag:s0] =	ssyncset.done $0x0  }
0x5a: {  	[sflag:s0] =	ssyncadd.s32 $0xFFFFFFB0  }
0x5b: {  	[tilespmem:s9], [sflag:$0x2] =	stream.indirect.gather [hbm4b:s5+s4], $0x90, s7, s4, $0xb8;
	[tilespmem:$0x1C340] =	vst v63  }
0x5c: {  	_ =	swait.ge [sflag:s11], $0x2D00  }
0x5d: {  	[sflag:s11] =	ssyncset.done $0x0  }
0x5e: {  	[sflag:s11] =	ssyncadd.s32 $0xFFFFD300  }
0x5f: {  	[spmem:s2] =	stream.indirect.scatter.add.f32 [tilespmem:s31], [sflag:$0x3], $0x90, s4, s4, $0xb8;
	[tilespmem:$0x1C340] =	vst v63  }
0x60: {  	_ =	swait.ge [sflag:s0], $0x2D00  }
0x61: {  	s30 =	sshrl.u32 s23, $0x3;
	[sflag:s0] =	ssyncset.done $0x0  }
0x62: {  	s26 =	sadd.s32 s1, s30;
	[sflag:s0] =	ssyncadd.s32 $0xFFFFD300  }
0x63: {  	[tilespmem:s3], [sflag:$0x3] =	stream.linear.gather [hbm4b:s26+s3], $0x50, $0x38;
	[tilespmem:$0x1C340] =	vst v63  }
0x64: {  	_ =	swait.ge [sflag:s0], $0x50  }
0x65: {  	[sflag:s0] =	ssyncset.done $0x0  }
0x66: {  	s22 =	sadd.s32 s6, s30;
	[sflag:s0] =	ssyncadd.s32 $0xFFFFFFB0  }
0x67: {  	[tilespmem:s4], [sflag:$0x3] =	stream.linear.gather [hbm4b:s22+s3], $0x50, $0x38;
	[tilespmem:$0x1C340] =	vst v63  }
0x68: {  	_ =	swait.ge [sflag:s0], $0x50  }
0x69: {  	[sflag:s0] =	ssyncset.done $0x0  }
0x6a: {  	[sflag:s0] =	ssyncadd.s32 $0xFFFFFFB0  }
0x6b: {  	[tilespmem:s31], [sflag:$0x1] =	stream.indirect.gather [hbm4b:s5+s4], $0x90, s3, s4, $0xb8;
	[tilespmem:$0x1C340] =	vst v63  }
0x6c: {  	_ =	swait.ge [sflag:s20], $0x2D00  }
0x6d: {  	[sflag:s20] =	ssyncset.done $0x0  }
0x6e: {  	[sflag:s20] =	ssyncadd.s32 $0xFFFFD300  }
0x6f: {  	[spmem:s2] =	stream.indirect.scatter.add.f32 [tilespmem:s9], [sflag:$0x3], $0x90, s8, s4, $0xb8;
	[tilespmem:$0x1C340] =	vst v63  }
0x70: {  	s28 =	simm.s32 $0x28;
	_ =	swait.ge [sflag:s0], $0x2D00  }
0x71: {  	s26 =	simm.s32 $0x14;
	s22 =	sadd.s32 $0xA0, s23;
	[sflag:s0] =	ssyncset.done $0x0  }
.LBB2_2:
0x72: {  	s30 =	sadd.s32 s26, s25  }
0x73: {  	[sflag:s0] =	ssyncadd.s32 $0xFFFFD300;
	s19 =	smov.u32 s28;
	s29 =	sadd.s32 $0x14, s28  }
0x74: {  	[tilespmem:s7], [sflag:$0x3] =	stream.linear.gather [hbm4b:s30+s3], $0x50, $0x38;
	[tilespmem:$0x1C340] =	vst v63  }
0x75: {  	p0 =	sne.s32 s28, $0x4C4;
	_ =	swait.ge [sflag:s0], $0x50  }
0x76: {  	[sflag:s0] =	ssyncset.done $0x0  }
0x77: {  	s28 =	sadd.s32 s26, s24;
	s26 =	smov.u32 s19;
	[sflag:s0] =	ssyncadd.s32 $0xFFFFFFB0  }
0x78: {  	[tilespmem:s8], [sflag:$0x3] =	stream.linear.gather [hbm4b:s28+s3], $0x50, $0x38;
	[tilespmem:$0x1C340] =	vst v63  }
0x79: {  	_ =	swait.ge [sflag:s0], $0x50  }
0x7a: {  	[sflag:s0] =	ssyncset.done $0x0  }
0x7b: {  	[sflag:s0] =	ssyncadd.s32 $0xFFFFFFB0  }
0x7c: {  	[tilespmem:s9], [sflag:$0x2] =	stream.indirect.gather [hbm4b:s5+s4], $0x90, s7, s4, $0xb8;
	[tilespmem:$0x1C340] =	vst v63  }
0x7d: {  	_ =	swait.ge [sflag:s11], $0x2D00  }
0x7e: {  	[sflag:s11] =	ssyncset.done $0x0  }
0x7f: {  	[sflag:s11] =	ssyncadd.s32 $0xFFFFD300  }
0x80: {  	[spmem:s2] =	stream.indirect.scatter.add.f32 [tilespmem:s31], [sflag:$0x3], $0x90, s4, s4, $0xb8;
	[tilespmem:$0x1C340] =	vst v63  }
0x81: {  	_ =	swait.ge [sflag:s0], $0x2D00  }
0x82: {  	s19 =	sshrl.u32 s22, $0x3;
	[sflag:s0] =	ssyncset.done $0x0  }
0x83: {  	s28 =	sadd.s32 s1, s19;
	[sflag:s0] =	ssyncadd.s32 $0xFFFFD300  }
0x84: {  	[tilespmem:s3], [sflag:$0x3] =	stream.linear.gather [hbm4b:s28+s3], $0x50, $0x38;
	[tilespmem:$0x1C340] =	vst v63  }
0x85: {  	_ =	swait.ge [sflag:s0], $0x50  }
0x86: {  	[sflag:s0] =	ssyncset.done $0x0  }
0x87: {  	s19 =	sadd.s32 s6, s19;
	[sflag:s0] =	ssyncadd.s32 $0xFFFFFFB0  }
0x88: {  	[tilespmem:s4], [sflag:$0x3] =	stream.linear.gather [hbm4b:s19+s3], $0x50, $0x38;
	[tilespmem:$0x1C340] =	vst v63  }
0x89: {  	_ =	swait.ge [sflag:s0], $0x50  }
0x8a: {  	[sflag:s0] =	ssyncset.done $0x0  }
0x8b: {  	[sflag:s0] =	ssyncadd.s32 $0xFFFFFFB0  }
0x8c: {  	[tilespmem:s31], [sflag:$0x1] =	stream.indirect.gather [hbm4b:s5+s4], $0x90, s3, s4, $0xb8;
	[tilespmem:$0x1C340] =	vst v63  }
0x8d: {  	_ =	swait.ge [sflag:s20], $0x2D00  }
.Ltmp0:
0x8e: {  	[sflag:s20] =	ssyncset.done $0x0;
	(pc) =	sbr.rel @p0 .LBB2_2-.Ltmp0, $4  }
0x8f: {  	[sflag:s20] =	ssyncadd.s32 $0xFFFFD300  }
0x90: {  	[spmem:s2] =	stream.indirect.scatter.add.f32 [tilespmem:s9], [sflag:$0x3], $0x90, s8, s4, $0xb8;
	[tilespmem:$0x1C340] =	vst v63  }
0x91: {  	_ =	swait.ge [sflag:s0], $0x2D00  }
0x92: {  	s22 =	sadd.s32 $0xA0, s22;
	s28 =	smov.u32 s29;
	[sflag:s0] =	ssyncset.done $0x0  }
0x93: {  	s19 =	sadd.s32 s26, s25;
	[sflag:s0] =	ssyncadd.s32 $0xFFFFD300  }
0x94: {  	[tilespmem:s7], [sflag:$0x3] =	stream.linear.gather [hbm4b:s19+s3], $0x50, $0x38;
	[tilespmem:$0x1C340] =	vst v63  }
0x95: {  	_ =	swait.ge [sflag:s0], $0x50  }
0x96: {  	[sflag:s0] =	ssyncset.done $0x0  }
0x97: {  	s29 =	sadd.s32 s26, s24;
	[sflag:s0] =	ssyncadd.s32 $0xFFFFFFB0  }
0x98: {  	[tilespmem:s8], [sflag:$0x3] =	stream.linear.gather [hbm4b:s29+s3], $0x50, $0x38;
	[tilespmem:$0x1C340] =	vst v63  }
0x99: {  	_ =	swait.ge [sflag:s0], $0x50  }
0x9a: {  	[sflag:s0] =	ssyncset.done $0x0  }
0x9b: {  	[sflag:s0] =	ssyncadd.s32 $0xFFFFFFB0  }
0x9c: {  	[tilespmem:s9], [sflag:$0x2] =	stream.indirect.gather [hbm4b:s5+s4], $0x90, s7, s4, $0xb8;
	[tilespmem:$0x1C340] =	vst v63  }
0x9d: {  	_ =	swait.ge [sflag:s11], $0x2D00  }
0x9e: {  	[sflag:s11] =	ssyncset.done $0x0  }
0x9f: {  	[sflag:s11] =	ssyncadd.s32 $0xFFFFD300  }
0xa0: {  	[spmem:s2] =	stream.indirect.scatter.add.f32 [tilespmem:s31], [sflag:$0x3], $0x90, s4, s4, $0xb8;
	[tilespmem:$0x1C340] =	vst v63  }
0xa1: {  	_ =	swait.ge [sflag:s0], $0x2D00  }
0xa2: {  	s30 =	sshrl.u32 s22, $0x3;
	[sflag:s0] =	ssyncset.done $0x0  }
0xa3: {  	s22 =	sadd.s32 s1, s30;
	[sflag:s0] =	ssyncadd.s32 $0xFFFFD300  }
0xa4: {  	[tilespmem:s3], [sflag:$0x3] =	stream.linear.gather [hbm4b:s22+s3], $0x50, $0x38;
	[tilespmem:$0x1C340] =	vst v63  }
0xa5: {  	_ =	swait.ge [sflag:s0], $0x50  }
0xa6: {  	[sflag:s0] =	ssyncset.done $0x0  }
0xa7: {  	s19 =	sadd.s32 s6, s30;
	[sflag:s0] =	ssyncadd.s32 $0xFFFFFFB0  }
0xa8: {  	[tilespmem:s4], [sflag:$0x3] =	stream.linear.gather [hbm4b:s19+s3], $0x50, $0x38;
	[tilespmem:$0x1C340] =	vst v63  }
0xa9: {  	_ =	swait.ge [sflag:s0], $0x50  }
0xaa: {  	[sflag:s0] =	ssyncset.done $0x0  }
0xab: {  	[sflag:s0] =	ssyncadd.s32 $0xFFFFFFB0  }
0xac: {  	[tilespmem:s31], [sflag:$0x1] =	stream.indirect.gather [hbm4b:s5+s4], $0x90, s3, s4, $0xb8;
	[tilespmem:$0x1C340] =	vst v63  }
0xad: {  	_ =	swait.ge [sflag:s20], $0x2D00  }
0xae: {  	[sflag:s20] =	ssyncset.done $0x0  }
0xaf: {  	[sflag:s20] =	ssyncadd.s32 $0xFFFFD300  }
0xb0: {  	[spmem:s2] =	stream.indirect.scatter.add.f32 [tilespmem:s9], [sflag:$0x3], $0x90, s8, s4, $0xb8;
	[tilespmem:$0x1C340] =	vst v63  }
0xb1: {  	_ =	swait.ge [sflag:s0], $0x2D00  }
0xb2: {  	[sflag:s0] =	ssyncset.done $0x0  }
0xb3: {  	[sflag:s0] =	ssyncadd.s32 $0xFFFFD300  }
0xb4: {  	_ =	swait.ge [sflag:s11], $0x2D00  }
0xb5: {  	[sflag:s11] =	ssyncset.done $0x0  }
0xb6: {  	[sflag:s11] =	ssyncadd.s32 $0xFFFFD300  }
0xb7: {  	[spmem:s2] =	stream.indirect.scatter.add.f32 [tilespmem:s31], [sflag:$0x3], $0x90, s4, s4, $0xb8;
	[tilespmem:$0x1C340] =	vst v63  }
0xb8: {  	_ =	swait.ge [sflag:s0], $0x2D00  }
0xb9: {  	[sflag:s0] =	ssyncset.done $0x0  }
0xba: {  	[sflag:s0] =	ssyncadd.s32 $0xFFFFD300  }
0xbb: {  	[bflag:$0x0] =	sbarrier.arrive $0xFFFF  }
0xbc: {  	[tilespmem:s31], [sflag:$0x3] =	stream.linear.gather [spmem:s10], $0x2D00, $0x38;
	[tilespmem:$0x1C340] =	vst v63  }
0xbd: {  	_ =	swait.ge [sflag:s0], $0x2D00  }
0xbe: {  	[sflag:s0] =	ssyncset.done $0x0  }
0xbf: {  	s26 =	rddreg [dreg:$0x8];
	[sflag:s0] =	ssyncadd.s32 $0xFFFFD300  }
0xc0: {  	[hbm4b:s26+s3] =	stream.linear.scatter [tilespmem:s31], [sflag:$0x3], $0x2D00, $0x38;
	[tilespmem:$0x1C340] =	vst v63  }
0xc1: {  	_ =	swait.ge [sflag:s0], $0x2D00  }
0xc2: {  	[sflag:s0] =	ssyncset.done $0x0  }
0xc3: {  	[sflag:s0] =	ssyncadd.s32 $0xFFFFD300  }
0xc4: {  	[tilespmem:s31], [sflag:$0x3] =	stream.linear.gather [spmem:s12], $0x2D00, $0x38;
	[tilespmem:$0x1C340] =	vst v63  }
0xc5: {  	_ =	swait.ge [sflag:s0], $0x2D00  }
0xc6: {  	[sflag:s0] =	ssyncset.done $0x0  }
0xc7: {  	s28 =	rddreg [dreg:$0x9];
	[sflag:s0] =	ssyncadd.s32 $0xFFFFD300  }
0xc8: {  	[hbm4b:s28+s3] =	stream.linear.scatter [tilespmem:s31], [sflag:$0x3], $0x2D00, $0x38;
	[tilespmem:$0x1C340] =	vst v63  }
0xc9: {  	_ =	swait.ge [sflag:s0], $0x2D00  }
0xca: {  	[sflag:s0] =	ssyncset.done $0x0  }
0xcb: {  	[sflag:s0] =	ssyncadd.s32 $0xFFFFD300  }
0xcc: {  	[tilespmem:s31], [sflag:$0x3] =	stream.linear.gather [spmem:s13], $0x2D00, $0x38;
	[tilespmem:$0x1C340] =	vst v63  }
0xcd: {  	_ =	swait.ge [sflag:s0], $0x2D00  }
0xce: {  	[sflag:s0] =	ssyncset.done $0x0  }
0xcf: {  	s29 =	rddreg [dreg:$0xa];
	[sflag:s0] =	ssyncadd.s32 $0xFFFFD300  }
0xd0: {  	[hbm4b:s29+s3] =	stream.linear.scatter [tilespmem:s31], [sflag:$0x3], $0x2D00, $0x38;
	[tilespmem:$0x1C340] =	vst v63  }
0xd1: {  	_ =	swait.ge [sflag:s0], $0x2D00  }
0xd2: {  	[sflag:s0] =	ssyncset.done $0x0  }
0xd3: {  	[sflag:s0] =	ssyncadd.s32 $0xFFFFD300  }
0xd4: {  	[tilespmem:s31], [sflag:$0x3] =	stream.linear.gather [spmem:s14], $0x2D00, $0x38;
	[tilespmem:$0x1C340] =	vst v63  }
0xd5: {  	_ =	swait.ge [sflag:s0], $0x2D00  }
0xd6: {  	[sflag:s0] =	ssyncset.done $0x0  }
0xd7: {  	s30 =	rddreg [dreg:$0xb];
	[sflag:s0] =	ssyncadd.s32 $0xFFFFD300  }
0xd8: {  	[hbm4b:s30+s3] =	stream.linear.scatter [tilespmem:s31], [sflag:$0x3], $0x2D00, $0x38;
	[tilespmem:$0x1C340] =	vst v63  }
0xd9: {  	_ =	swait.ge [sflag:s0], $0x2D00  }
0xda: {  	[sflag:s0] =	ssyncset.done $0x0  }
0xdb: {  	[sflag:s0] =	ssyncadd.s32 $0xFFFFD300  }
0xdc: {  	[tilespmem:s31], [sflag:$0x3] =	stream.linear.gather [spmem:s15], $0x2D00, $0x38;
	[tilespmem:$0x1C340] =	vst v63  }
0xdd: {  	_ =	swait.ge [sflag:s0], $0x2D00  }
0xde: {  	[sflag:s0] =	ssyncset.done $0x0  }
0xdf: {  	s22 =	rddreg [dreg:$0xc];
	[sflag:s0] =	ssyncadd.s32 $0xFFFFD300  }
0xe0: {  	[hbm4b:s22+s3] =	stream.linear.scatter [tilespmem:s31], [sflag:$0x3], $0x2D00, $0x38;
	[tilespmem:$0x1C340] =	vst v63  }
0xe1: {  	_ =	swait.ge [sflag:s0], $0x2D00  }
0xe2: {  	[sflag:s0] =	ssyncset.done $0x0  }
0xe3: {  	[sflag:s0] =	ssyncadd.s32 $0xFFFFD300  }
0xe4: {  	[tilespmem:s31], [sflag:$0x3] =	stream.linear.gather [spmem:s16], $0x2D00, $0x38;
	[tilespmem:$0x1C340] =	vst v63  }
0xe5: {  	_ =	swait.ge [sflag:s0], $0x2D00  }
0xe6: {  	[sflag:s0] =	ssyncset.done $0x0  }
0xe7: {  	s26 =	rddreg [dreg:$0xd];
	[sflag:s0] =	ssyncadd.s32 $0xFFFFD300  }
0xe8: {  	[hbm4b:s26+s3] =	stream.linear.scatter [tilespmem:s31], [sflag:$0x3], $0x2D00, $0x38;
	[tilespmem:$0x1C340] =	vst v63  }
0xe9: {  	_ =	swait.ge [sflag:s0], $0x2D00  }
0xea: {  	[sflag:s0] =	ssyncset.done $0x0  }
0xeb: {  	[sflag:s0] =	ssyncadd.s32 $0xFFFFD300  }
0xec: {  	[tilespmem:s31], [sflag:$0x3] =	stream.linear.gather [spmem:s17], $0x2D00, $0x38;
	[tilespmem:$0x1C340] =	vst v63  }
0xed: {  	_ =	swait.ge [sflag:s0], $0x2D00  }
0xee: {  	[sflag:s0] =	ssyncset.done $0x0  }
0xef: {  	s28 =	rddreg [dreg:$0xe];
	[sflag:s0] =	ssyncadd.s32 $0xFFFFD300  }
0xf0: {  	[hbm4b:s28+s3] =	stream.linear.scatter [tilespmem:s31], [sflag:$0x3], $0x2D00, $0x38;
	[tilespmem:$0x1C340] =	vst v63  }
0xf1: {  	_ =	swait.ge [sflag:s0], $0x2D00  }
0xf2: {  	[sflag:s0] =	ssyncset.done $0x0  }
0xf3: {  	[sflag:s0] =	ssyncadd.s32 $0xFFFFD300  }
0xf4: {  	[tilespmem:s31], [sflag:$0x3] =	stream.linear.gather [spmem:s18], $0x2D00, $0x38;
	[tilespmem:$0x1C340] =	vst v63  }
0xf5: {  	_ =	swait.ge [sflag:s0], $0x2D00  }
0xf6: {  	[sflag:s0] =	ssyncset.done $0x0  }
0xf7: {  	s29 =	rddreg [dreg:$0xf];
	[sflag:s0] =	ssyncadd.s32 $0xFFFFD300  }
0xf8: {  	[hbm4b:s29+s3] =	stream.linear.scatter [tilespmem:s31], [sflag:$0x3], $0x2D00, $0x38;
	[tilespmem:$0x1C340] =	vst v63  }
0xf9: {  	_ =	swait.ge [sflag:s0], $0x2D00  }
0xfa: {  	s21 =	sadd.s32 $0x1, s21;
	s30 =	rddreg [dreg:$0x7]  }
0xfb: {  	p0 =	sne.s32 s21, s30  }
.Ltmp1:
0xfc: {  	_ = 	snop;
	(pc) =	sbr.rel @p0 .LBB2_1-.Ltmp1, $3  }
0xfd: {  	_ =	sdelay $0x1  }
0xfe: {  	[sflag:s0] =	ssyncset.done $0x0  }
0xff: {  	[sflag:s0] =	ssyncadd.s32 $0xFFFFD300  }
0x100: {  	_ =	sfence.sel $0x180000  }
0x101: {  	[bflag:$0x0] =	sbarrier.arrive $0xFFFF  }
0x102: {  	_ =	strace $0x9000004A  }
0x103: {  	s0 =	stileid.u32;
	[bflag:$0x2] =	sbarrier.arrive $0xFFFF  }
0x104: {  	p0 =	sne.s32 s0, $0x0;
	s0 =	rddreg [dreg:$0x3]  }
0x105: {  	s0 =	sadd.s32 @!p0 $0x100000, s0  }
0x106: {  	[sflag:s0] =	ssyncadd.tile.s32 @!p0 $0x1;
	_ =	shalt  }
.Lfunc_end2:
_tile_overlayer_lowered:
.L_overlay_start_2:
0x107: {  	(tag) =	ssettag $0x2  }
0x108: {  	s0 =	rddreg [dreg:$0x0];
	s2 =	stileid.u32  }
0x109: {  	s1 =	rddreg [dreg:$0x1];
	p0 =	sne.s32 s2, $0x0  }
0x10a: {  	s3 =	rddreg [dreg:$0x2];
	[bflag:$0x3] =	sbarrier.arrive $0xFFFF;
	s2 =	simm.s32 @!p0 $0x1C03  }
0x10b: {  	[timem:s3], [sflag:s2] =	dma.local @!p0 [hbm:s0], s1  }
0x10c: {  	s0 =	simm.s32 @!p0 $0x3  }
0x10d: {  	_ =	swait.ge @!p0 [sflag:s0], s1  }
0x10e: {  	s1 =	ssub.s32 @!p0 $0x0, s1;
	[sflag:s0] =	ssyncset.done @!p0 $0x0  }
0x10f: {  	[sflag:s0] =	ssyncadd.s32 @!p0 s1  }
0x110: {  	[bflag:$0x3] =	sbarrier.arrive $0xFFFF  }
0x111: {  	_ =	shalt  }

// kernel: kernel.7.cloned.1.call-start
scs
__scs_entry_jumppad:
0x0: {  	(pc) =	sbr.rel $0x88, $3  }
0x1: {  	(tag) =	ssettag $0x0;
	lr =	simm.s32 $0x1  }
0x2: {  	[smem:$0x3F89] =	sst lr;
	_ =	strace $0xD0000000  }
0x3: {  	_ = 	snop  }
0x4: {  	_ = 	snop  }
0x5: {  	_ = 	snop  }
0x6: {  	_ = 	snop  }
0x7: {  	_ = 	snop  }
__scs_overlays_trampoline_lowered:
0x8: {  	[smem:$0x3F98] =	sst s0  }
0x9: {  	[smem:$0x3F99] =	sst s1  }
0xa: {  	[smem:$0x3F9A] =	sst s2  }
0xb: {  	[smem:$0x3F9B] =	sst s3  }
0xc: {  	[smem:$0x3F9C] =	sst s4  }
0xd: {  	[smem:$0x3F9D] =	sst s5  }
0xe: {  	[smem:$0x3F9E] =	sst s6  }
0xf: {  	[smem:$0x3F9F] =	sst s7  }
0x10: {  	[smem:$0x3FA0] =	sst s8  }
0x11: {  	[smem:$0x3FA1] =	sst s9;
	s0 =	simm.s32 @!p0 $0x0  }
0x12: {  	s1 =	sld [smem:$0x3F87];
	s0 =	simm.s32 @p0 $0x1  }
0x13: {  	[smem:$0x3FA2] =	sst s0;
	s0 =	simm.s32 @!p1 $0x0  }
0x14: {  	s2 =	sld [smem:$0x3F86];
	s0 =	simm.s32 @p1 $0x1  }
0x15: {  	[smem:$0x3FA3] =	sst s0;
	s0 =	simm.s32 @!p2 $0x0  }
0x16: {  	s3 =	sld [smem:$0x3FDB];
	s0 =	simm.s32 @p2 $0x1  }
0x17: {  	s4 =	simm.s32 $0x1BF5;
	[smem:$0x3FA5] =	sst s0  }
0x18: {  	s0 =	sld [smem:$0x3F88];
	_ =	swait.ge [sflag:s4], $0x0  }
0x19: {  	s7 =	sld [smem:$0x3F89]  }
0x1a: {  	s8 =	sadd.s32 $0xFFFFE003, lr  }
0x1b: {  	s9 =	sadd.s32 $0xFFFFFEF7, lr;
	s5 =	simm.s32 $0xFFFFFFFF;
	p2 =	slt.u32 s8, $0xFFFFF086  }
0x1c: {  	p1 =	slt.u32 s9, $0xF7A;
	s5 =	simm.s32 @!p2 $0x0  }
0x1d: {  	s5 =	simm.s32 @p1 $0x1;
	p0 =	seq.s32 s7, s2  }
0x1e: {  	s7 =	smul.u32 @!p0 $0xF7A, s2;
	p2 =	seq.s32 @!p0 s5, $0x0  }
0x1f: {  	s9 =	smul.u32 $0xF7A, s1;
	s8 =	simm.s32 @!p0 $0x1BF5;
	p2 =	por !p2, p0  }
0x20: {  	[sflag:s8] =	ssyncset.s32 @!p0 $0xFFFFF086;
	s6 =	sadd.s32 @!p0 s3, s7;
	s7 =	simm.s32 @!p0 $0x108  }
0x21: {  	s3 =	sadd.s32 s3, s9;
	s6 =	sadd.s32 @!p0 $0x88, s6;
	s7 =	simm.s32 @p2 $0x1082  }
0x22: {  	[simem:s7], [sflag:s8] =	dma.local @!p0 [hbm:s6], $0xF7A  }
0x23: {  	s9 =	sor.u32 $0xD0000000, s2;
	s6 =	simm.s32 $0x108;
	_ =	swait.ge @!p0 [sflag:s8], $0x0  }
0x24: {  	s3 =	sadd.s32 $0x88, s3;
	s6 =	simm.s32 @!p1 $0x1082;
	[sflag:s4] =	ssyncset.s32 $0xFFFFF086  }
0x25: {  	[simem:s6], [sflag:s4] =	dma.local [hbm:s3], $0xF7A  }
0x26: {  	[smem:$0x3F89] =	sst s1;
	(tag) =	ssettag s2;
	_ =	strace s9  }
0x27: {  	s1 =	sld [smem:$0x3F99]  }
0x28: {  	s2 =	sld [smem:$0x3F9A]  }
0x29: {  	s4 =	sld [smem:$0x3F9C]  }
0x2a: {  	p0 =	seq.s32 s5, $0x0;
	s5 =	sld [smem:$0x3F9D]  }
0x2b: {  	s6 =	sld [smem:$0x3F9E]  }
0x2c: {  	s7 =	sld [smem:$0x3F9F]  }
0x2d: {  	s3 =	simm.s32 $0x108;
	s8 =	sld [smem:$0x3FA0]  }
0x2e: {  	s3 =	simm.s32 @!p0 $0x1082;
	s9 =	sld [smem:$0x3FA1]  }
0x2f: {  	lr =	sadd.s32 s0, s3;
	s0 =	sld [smem:$0x3F98]  }
0x30: {  	s3 =	sld [smem:$0x3F9B]  }
0x31: {  	[smem:$0x3FA4] =	sst s10  }
0x32: {  	s10 =	sld [smem:$0x3FA2];
	_ =	sdelay $0x3  }
0x33: {  	p0 =	seq.s32 s10, $0x1;
	s10 =	sld [smem:$0x3FA4];
	_ =	sdelay $0x3  }
0x34: {  	[smem:$0x3FA4] =	sst s10  }
0x35: {  	s10 =	sld [smem:$0x3FA3];
	_ =	sdelay $0x3  }
0x36: {  	p1 =	seq.s32 s10, $0x1;
	s10 =	sld [smem:$0x3FA4];
	_ =	sdelay $0x3  }
0x37: {  	[smem:$0x3FA4] =	sst s10  }
0x38: {  	s10 =	sld [smem:$0x3FA5]  }
0x39: {  	_ = 	snop;
	(pc) =	sbr.ind lr, $3  }
0x3a: {  	_ = 	snop  }
0x3b: {  	_ = 	snop  }
0x3c: {  	p2 =	seq.s32 s10, $0x1;
	s10 =	sld [smem:$0x3FA4]  }
0x3d: {  	_ =	shalt  }
0x3e: {  	_ =	shalt  }
0x3f: {  	_ =	shalt  }
0x40: {  	_ =	shalt  }
0x41: {  	_ =	shalt  }
0x42: {  	_ =	shalt  }
0x43: {  	_ =	shalt  }
0x44: {  	_ =	shalt  }
0x45: {  	_ =	shalt  }
0x46: {  	_ =	shalt  }
0x47: {  	_ =	shalt  }
0x48: {  	_ =	shalt  }
0x49: {  	_ =	shalt  }
0x4a: {  	_ =	shalt  }
0x4b: {  	_ =	shalt  }
0x4c: {  	_ =	shalt  }
0x4d: {  	_ =	shalt  }
0x4e: {  	_ =	shalt  }
0x4f: {  	_ =	shalt  }
0x50: {  	_ =	shalt  }
0x51: {  	_ =	shalt  }
0x52: {  	_ =	shalt  }
0x53: {  	_ =	shalt  }
0x54: {  	_ =	shalt  }
0x55: {  	_ =	shalt  }
0x56: {  	_ =	shalt  }
0x57: {  	_ =	shalt  }
0x58: {  	_ =	shalt  }
0x59: {  	_ =	shalt  }
0x5a: {  	_ =	shalt  }
0x5b: {  	_ =	shalt  }
0x5c: {  	_ =	shalt  }
0x5d: {  	_ =	shalt  }
0x5e: {  	_ =	shalt  }
0x5f: {  	_ =	shalt  }
0x60: {  	_ =	shalt  }
0x61: {  	_ =	shalt  }
0x62: {  	_ =	shalt  }
0x63: {  	_ =	shalt  }
0x64: {  	_ =	shalt  }
0x65: {  	_ =	shalt  }
0x66: {  	_ =	shalt  }
0x67: {  	_ =	shalt  }
0x68: {  	_ =	shalt  }
0x69: {  	_ =	shalt  }
0x6a: {  	_ =	shalt  }
0x6b: {  	_ =	shalt  }
0x6c: {  	_ =	shalt  }
0x6d: {  	_ =	shalt  }
0x6e: {  	_ =	shalt  }
0x6f: {  	_ =	shalt  }
0x70: {  	_ =	shalt  }
0x71: {  	_ =	shalt  }
0x72: {  	_ =	shalt  }
0x73: {  	_ =	shalt  }
0x74: {  	_ =	shalt  }
0x75: {  	_ =	shalt  }
0x76: {  	_ =	shalt  }
0x77: {  	_ =	shalt  }
0x78: {  	_ =	shalt  }
0x79: {  	_ =	shalt  }
0x7a: {  	_ =	shalt  }
0x7b: {  	_ =	shalt  }
0x7c: {  	_ =	shalt  }
0x7d: {  	_ =	shalt  }
0x7e: {  	_ =	shalt  }
0x7f: {  	_ =	shalt  }
0x80: {  	_ =	shalt  }
0x81: {  	_ =	shalt  }
0x82: {  	_ =	shalt  }
0x83: {  	_ =	shalt  }
0x84: {  	_ =	shalt  }
0x85: {  	_ =	shalt  }
0x86: {  	_ =	shalt  }
0x87: {  	_ =	shalt  }
.Lfunc_end0:
.L_simem_size_0:
called_computation_lowered:
.L_overlay_start_0:
0x88: {  	s2 =	sld [smem:$0x3FD9]  }
0x89: {  	s3 =	sld [smem:$0x3FFE];
	_ =	sdelay $0x1  }
0x8a: {  	s1 =	srdreg.scid  }
0x8b: {  	s0 =	sand.u32 $0x1, s1  }
0x8c: {  	s14 =	sshll.u32 s0, $0xA;
	s2 =	sadd.s32 s3, s2  }
0x8d: {  	s2 =	sadd.s32 s2, s14  }
0x8e: {  	[smem:$0x3FB0] =	sst s2  }
0x8f: {  	_ = 	snop  }
0x90: {  	s2 =	sld [smem:$0x3FD0];
	_ =	sdelay $0x2  }
0x91: {  	s15 =	simm.s32 $0xA;
	s4 =	simm.s32 $0x10  }
0x92: {  	[smem:s4], [sflag:s15] =	dma.local [hbm:s2], $0x1  }
0x93: {  	_ =	swait.eq [sflag:s15], $0x1  }
0x94: {  	[sflag:s15] =	ssyncset.done $0x0  }
0x95: {  	[sflag:s15] =	ssyncadd.s32 $0xFFFFFFFF  }
0x96: {  	s16 =	sld [smem:$0x10];
	(tm) =	ssettm $0x1  }
0x97: {  	s17 =	sld [smem:$0x3FFB];
	_ =	sdelay $0x3  }
0x98: {  	_ =	strace s17  }
0x99: {  	s3 =	sld [smem:$0x3FFC];
	_ =	sdelay $0x3  }
0x9a: {  	_ =	strace s3  }
0x9b: {  	s3 =	sld [smem:$0x3FFD];
	_ =	sdelay $0x3  }
0x9c: {  	_ =	strace s3  }
0x9d: {  	_ =	strace $0x8FFFFFFF  }
0x9e: {  	s18 =	sld [smem:$0x3FDB];
	_ =	sdelay $0x1  }
0x9f: {  	s19 =	simm.s32 $_scs_section_size  }
0xa0: {  	s5 =	simm.s32 $_size__tile_overlayer_lowered;
	s6 =	simm.s32 $_tile_overlayer_lowered  }
0xa1: {  	s22 =	simm.s32 $0x1BFF;
	s21 =	sshll.u32 s6, $0x1;
	s3 =	sadd.s32 s19, s18  }
0xa2: {  	s7 =	simm.s32 $0x0;
	s20 =	sshll.u32 s5, $0x1;
	s5 =	sadd.s32 s21, s3  }
0xa3: {  	[timem:s7], [sflag:s22] =	dma.local [hbm:s5], s20  }
0xa4: {  	_ =	swait.ge [sflag:s22], s20  }
0xa5: {  	s4 =	ssub.s32 $0x0, s20;
	[sflag:s22] =	ssyncset.done $0x0  }
0xa6: {  	[sflag:s22] =	ssyncadd.s32 s4;
	_ =	sdelay $0x1  }
0xa7: {  	s23 =	simm.s32 $0x1B8B  }
0xa8: {  	_ =	swait.ge [sflag:s23], $0x1  }
0xa9: {  	[sflag:s23] =	ssyncset.done $0x0  }
0xaa: {  	s25 =	simm.s32 $0x1B8E;
	s24 =	sld [smem:$0x3FFE];
	[sflag:s23] =	ssyncadd.s32 $0xFFFFFFFF  }
0xab: {  	s26 =	simm.s32 $execute0_lowered;
	[smem:$0x3FD2] =	sst s25  }
0xac: {  	s5 =	sshll.u32 s26, $0x1;
	_ =	strace $0x80000046;
	[dreg:$0x1] =	wrdreg $0xFFFFFFFF  }
0xad: {  	s28 =	simm.s32 $_size_execute0_lowered;
	s3 =	sadd.s32 s3, s5;
	[dreg:$0x0] =	wrdreg $0x0  }
0xae: {  	s5 =	sshll.u32 s28, $0x1;
	[dreg:$0x2] =	wrdreg s3  }
0xaf: {  	[dreg:$0x3] =	wrdreg s5  }
0xb0: {  	[dreg:$0x4] =	wrdreg $0xC0  }
0xb1: {  	_ =	task [dreg:s7], $0x5FFFF  }
0xb2: {  	[dreg:$0x1] =	wrdreg $0xFFFFFFFF  }
0xb3: {  	[dreg:$0x0] =	wrdreg $0x60  }
0xb4: {  	[dreg:$0x2] =	wrdreg s24  }
0xb5: {  	[dreg:$0x3] =	wrdreg s16  }
0xb6: {  	[dreg:$0x4] =	wrdreg $0x5B400  }
0xb7: {  	[dreg:$0x5] =	wrdreg $0x9  }
0xb8: {  	_ =	task.clear_ibuf [dreg:s7], $0x6FFFF;
	_ =	strace $0x90000046  }
0xb9: {  	s29 =	simm.s32 $0x9;
	_ =	strace $0x80000048  }
0xba: {  	_ =	swait.ge [sflag:s29], $0x1  }
0xbb: {  	[sflag:s29] =	ssyncadd.s32 $0xFFFFFFFF  }
0xbc: {  	_ =	strace $0x90000048  }
0xbd: {  	_ =	sfence  }
0xbe: {  	s30 =	sld [smem:$0x0];
	_ =	sdelay $0x2  }
0xbf: {  	s31 =	sshll.u32 s1, $0xD;
	s1 =	sshrl.u32 s1, $0x2  }
0xc0: {  	s3 =	sand.u32 $0x4000, s31;
	s1 =	sadd.s32 s1, s30  }
0xc1: {  	s0 =	sor.u32 s3, s0;
	s1 =	sshll.u32 s1, $0x11  }
0xc2: {  	s0 =	sor.u32 s1, s0  }
0xc3: {  	s0 =	sadd.s32 $0x8F2B, s0  }
0xc4: {  	[sflag:s0] =	ssyncadd.remote.s32 $0x1  }
0xc5: {  	_ =	sfence.sel $0xFFFF  }
0xc6: {  	[dreg:$0x0] =	wrdreg $0xFFFFFFFF;
	(pc) =	sbr.abs _section_cstart, $3  }
0xc7: {  	[dreg:$0x1] =	wrdreg $0xFFFFFFFF  }
0xc8: {  	_ =	task.clear_ibuf [dreg:s7], $0x2FFFF;
	_ =	strace $0x9FFFFFFF  }
0xc9: {  	(tm) =	ssettm $0x7FFFFFFF  }
tec
execute0_lowered:
.L_overlay_start_1:
0x0: {  	(tag) =	ssettag $0x1  }
0x1: {  	s0 =	rddreg [dreg:$0x0]  }
0x2: {  	s1 =	rddreg [dreg:$0x1]  }
0x3: {  	s2 =	rddreg [dreg:$0x2];
	s3 =	simm.s32 $0x0  }
0x4: {  	s4 =	srdreg.scid;
	s19 =	stileid.u32;
	s31 =	simm.s32 $0xA0  }
0x5: {  	[smem:$0x7FF] =	sst s3;
	s4 =	sand.u32 $0x1, s4;
	s8 =	smul.u32 $0x280, s19  }
0x6: {  	s5 =	sadd.s32 $0xCA00, s0;
	s10 =	sadd.s32 $0x38A00, s0;
	s11 =	smul.u32 $0x5A000, s19  }
0x7: {  	s21 =	smul.u32 $0x2710, s19;
	_ =	strace $0x80000047;
	s6 =	sshll.u32 s4, $0x4  }
0x8: {  	s9 =	ssub.s32 $0x2, s4;
	[dreg:$0x4] =	wrdreg s10;
	s25 =	smul.u32 $0x2800, s4  }
0x9: {  	s4 =	smul.u32 $0x27100, s4;
	s7 =	sor.u32 s19, s6;
	s6 =	sadd.s32 $0x2C00, s0  }
0xa: {  	s0 =	sadd.s32 $0x39000, s0;
	s22 =	sshrl.u32 s9, $0x1;
	s16 =	sor.u32 $0x50, s8  }
0xb: {  	s17 =	sadd.s32 $0xA0, s8;
	s12 =	sshrl.u32 s11, $0x2;
	s28 =	sadd.s32 $0x21C00, s11  }
0xc: {  	s15 =	sadd.s32 $0x2D000, s11;
	s30 =	sadd.s32 $0x38400, s11;
	s7 =	smul.u32 $0x2710, s7  }
0xd: {  	s18 =	sadd.s32 $0x43800, s11;
	s11 =	sadd.s32 $0x4EC00, s11;
	s24 =	smul.u32 $0x240, s16  }
0xe: {  	s9 =	ssub.s32 s9, s22;
	s14 =	smul.u32 $0x240, s17;
	s10 =	sadd.s32 s12, s2  }
0xf: {  	s29 =	sshrl.u32 s28, $0x2;
	s15 =	sshrl.u32 s15, $0x2;
	s8 =	sadd.s32 s25, s8  }
0x10: {  	s16 =	sadd.s32 s25, s16;
	s18 =	sshrl.u32 s18, $0x2;
	s22 =	sshrl.u32 s11, $0x2  }
0x11: {  	s4 =	sadd.s32 s21, s4;
	s11 =	simm.s32 $0x1;
	s21 =	simm.s32 $0x0  }
0x12: {  	s9 =	smax.u32 s9, $0x1;
	s15 =	sadd.s32 s15, s2;
	s8 =	smul.u32 $0x12, s8  }
0x13: {  	s20 =	smul.u32 $0x12, s16;
	s7 =	sshrl.u32 s7, $0x3;
	s13 =	sshrl.u32 s24, $0x2  }
0x14: {  	[dreg:$0x7] =	wrdreg s9;
	s26 =	sshrl.u32 s14, $0x2;
	s14 =	sadd.s32 s29, s2  }
0x15: {  	s9 =	sshrl.u32 s30, $0x2;
	s24 =	sadd.s32 $0x50, s4;
	s23 =	sadd.s32 s6, s7  }
0x16: {  	s7 =	sadd.s32 s1, s7;
	s12 =	sadd.s32 s13, s2;
	s13 =	sadd.s32 s26, s2  }
0x17: {  	s16 =	sadd.s32 s9, s2;
	s8 =	sadd.s32 s0, s8;
	[dreg:$0x5] =	wrdreg s23  }
0x18: {  	s9 =	simm.s32 $0x2E40;
	[dreg:$0x6] =	wrdreg s7;
	s7 =	sadd.s32 s25, s17  }
0x19: {  	s17 =	sadd.s32 s18, s2;
	s23 =	sadd.s32 s0, s20;
	[dreg:$0x8] =	wrdreg s8  }
0x1a: {  	s18 =	sadd.s32 s22, s2;
	s25 =	sadd.s32 $0x10E0, s8;
	[dreg:$0x9] =	wrdreg s23  }
0x1b: {  	s26 =	sadd.s32 $0x1680, s8;
	s28 =	sadd.s32 $0x1C20, s8;
	[dreg:$0xb] =	wrdreg s25  }
0x1c: {  	s29 =	sadd.s32 $0x21C0, s8;
	s30 =	sadd.s32 $0x2760, s8;
	[dreg:$0xc] =	wrdreg s26  }
0x1d: {  	s8 =	simm.s32 $0x2DF0;
	s7 =	smul.u32 $0x12, s7;
	[dreg:$0xd] =	wrdreg s28  }
0x1e: {  	s20 =	simm.s32 $0x2;
	s23 =	sadd.s32 $0xA0, s4;
	[dreg:$0xe] =	wrdreg s29  }
0x1f: {  	[dreg:$0xf] =	wrdreg s30;
	s4 =	simm.s32 $0x50;
	s0 =	sadd.s32 s0, s7  }
0x20: {  	s7 =	simm.s32 $0x2DA0;
	[dreg:$0xa] =	wrdreg s0;
	s0 =	sshrl.u32 s24, $0x3  }
0x21: {  	s24 =	sadd.s32 s0, s1;
	s25 =	sadd.s32 s0, s6;
	s0 =	simm.s32 $0x3  }
.LBB2_1:
0x22: {  	s19 =	rddreg [dreg:$0x4]  }
0x23: {  	[tilespmem:s31], [sflag:$0x3] =	stream.linear.gather [hbm4b:s19+s3], $0x2D00, $0x38;
	[tilespmem:$0x1C340] =	vst v63  }
0x24: {  	_ =	swait.ge [sflag:s0], $0x2D00  }
0x25: {  	[sflag:s0] =	ssyncset.done $0x0  }
0x26: {  	[sflag:s0] =	ssyncadd.s32 $0xFFFFD300  }
0x27: {  	[spmem:s10] =	stream.linear.scatter [tilespmem:s31], [sflag:$0x3], $0x2D00, $0x38;
	[tilespmem:$0x1C340] =	vst v63  }
0x28: {  	_ =	swait.ge [sflag:s0], $0x2D00  }
0x29: {  	[sflag:s0] =	ssyncset.done $0x0  }
0x2a: {  	[sflag:s0] =	ssyncadd.s32 $0xFFFFD300  }
0x2b: {  	[spmem:s12] =	stream.linear.scatter [tilespmem:s31], [sflag:$0x3], $0x2D00, $0x38;
	[tilespmem:$0x1C340] =	vst v63  }
0x2c: {  	_ =	swait.ge [sflag:s0], $0x2D00  }
0x2d: {  	[sflag:s0] =	ssyncset.done $0x0  }
0x2e: {  	[sflag:s0] =	ssyncadd.s32 $0xFFFFD300  }
0x2f: {  	[spmem:s13] =	stream.linear.scatter [tilespmem:s31], [sflag:$0x3], $0x2D00, $0x38;
	[tilespmem:$0x1C340] =	vst v63  }
0x30: {  	_ =	swait.ge [sflag:s0], $0x2D00  }
0x31: {  	[sflag:s0] =	ssyncset.done $0x0  }
0x32: {  	[sflag:s0] =	ssyncadd.s32 $0xFFFFD300  }
0x33: {  	[spmem:s14] =	stream.linear.scatter [tilespmem:s31], [sflag:$0x3], $0x2D00, $0x38;
	[tilespmem:$0x1C340] =	vst v63  }
0x34: {  	_ =	swait.ge [sflag:s0], $0x2D00  }
0x35: {  	[sflag:s0] =	ssyncset.done $0x0  }
0x36: {  	[sflag:s0] =	ssyncadd.s32 $0xFFFFD300  }
0x37: {  	[spmem:s15] =	stream.linear.scatter [tilespmem:s31], [sflag:$0x3], $0x2D00, $0x38;
	[tilespmem:$0x1C340] =	vst v63  }
0x38: {  	_ =	swait.ge [sflag:s0], $0x2D00  }
0x39: {  	[sflag:s0] =	ssyncset.done $0x0  }
0x3a: {  	[sflag:s0] =	ssyncadd.s32 $0xFFFFD300  }
0x3b: {  	[spmem:s16] =	stream.linear.scatter [tilespmem:s31], [sflag:$0x3], $0x2D00, $0x38;
	[tilespmem:$0x1C340] =	vst v63  }
0x3c: {  	_ =	swait.ge [sflag:s0], $0x2D00  }
0x3d: {  	[sflag:s0] =	ssyncset.done $0x0  }
0x3e: {  	[sflag:s0] =	ssyncadd.s32 $0xFFFFD300  }
0x3f: {  	[spmem:s17] =	stream.linear.scatter [tilespmem:s31], [sflag:$0x3], $0x2D00, $0x38;
	[tilespmem:$0x1C340] =	vst v63  }
0x40: {  	_ =	swait.ge [sflag:s0], $0x2D00  }
0x41: {  	[sflag:s0] =	ssyncset.done $0x0  }
0x42: {  	[sflag:s0] =	ssyncadd.s32 $0xFFFFD300  }
0x43: {  	[spmem:s18] =	stream.linear.scatter [tilespmem:s31], [sflag:$0x3], $0x2D00, $0x38;
	[tilespmem:$0x1C340] =	vst v63  }
0x44: {  	_ =	swait.ge [sflag:s0], $0x2D00  }
0x45: {  	[sflag:s0] =	ssyncset.done $0x0  }
0x46: {  	[sflag:s0] =	ssyncadd.s32 $0xFFFFD300  }
0x47: {  	[bflag:$0x0] =	sbarrier.arrive $0xFFFF  }
0x48: {  	s22 =	rddreg [dreg:$0x5]  }
0x49: {  	[tilespmem:s3], [sflag:$0x3] =	stream.linear.gather [hbm4b:s22+s3], $0x50, $0x38;
	[tilespmem:$0x1C340] =	vst v63  }
0x4a: {  	_ =	swait.ge [sflag:s0], $0x50  }
0x4b: {  	[sflag:s0] =	ssyncset.done $0x0  }
0x4c: {  	s26 =	rddreg [dreg:$0x6];
	[sflag:s0] =	ssyncadd.s32 $0xFFFFFFB0  }
0x4d: {  	[tilespmem:s4], [sflag:$0x3] =	stream.linear.gather [hbm4b:s26+s3], $0x50, $0x38;
	[tilespmem:$0x1C340] =	vst v63  }
0x4e: {  	_ =	swait.ge [sflag:s0], $0x50  }
0x4f: {  	[sflag:s0] =	ssyncset.done $0x0  }
0x50: {  	[sflag:s0] =	ssyncadd.s32 $0xFFFFFFB0  }
0x51: {  	[tilespmem:s31], [sflag:$0x1] =	stream.indirect.gather [hbm4b:s5+s4], $0x90, s3, s4, $0xb8;
	[tilespmem:$0x1C340] =	vst v63  }
0x52: {  	s22 =	sadd.s32 $0x0, s25  }
0x53: {  	[tilespmem:s7], [sflag:$0x3] =	stream.linear.gather [hbm4b:s22+s3], $0x50, $0x38;
	[tilespmem:$0x1C340] =	vst v63  }
0x54: {  	_ =	swait.ge [sflag:s0], $0x50  }
0x55: {  	[sflag:s0] =	ssyncset.done $0x0  }
0x56: {  	s29 =	sadd.s32 $0x0, s24;
	[sflag:s0] =	ssyncadd.s32 $0xFFFFFFB0  }
0x57: {  	[tilespmem:s8], [sflag:$0x3] =	stream.linear.gather [hbm4b:s29+s3], $0x50, $0x38;
	[tilespmem:$0x1C340] =	vst v63  }
0x58: {  	_ =	swait.ge [sflag:s0], $0x50  }
0x59: {  	[sflag:s0] =	ssyncset.done $0x0  }
0x5a: {  	[sflag:s0] =	ssyncadd.s32 $0xFFFFFFB0  }
0x5b: {  	[tilespmem:s9], [sflag:$0x2] =	stream.indirect.gather [hbm4b:s5+s4], $0x90, s7, s4, $0xb8;
	[tilespmem:$0x1C340] =	vst v63  }
0x5c: {  	_ =	swait.ge [sflag:s11], $0x2D00  }
0x5d: {  	[sflag:s11] =	ssyncset.done $0x0  }
0x5e: {  	[sflag:s11] =	ssyncadd.s32 $0xFFFFD300  }
0x5f: {  	[spmem:s2] =	stream.indirect.scatter.add.f32 [tilespmem:s31], [sflag:$0x3], $0x90, s4, s4, $0xb8;
	[tilespmem:$0x1C340] =	vst v63  }
0x60: {  	_ =	swait.ge [sflag:s0], $0x2D00  }
0x61: {  	s30 =	sshrl.u32 s23, $0x3;
	[sflag:s0] =	ssyncset.done $0x0  }
0x62: {  	s26 =	sadd.s32 s6, s30;
	[sflag:s0] =	ssyncadd.s32 $0xFFFFD300  }
0x63: {  	[tilespmem:s3], [sflag:$0x3] =	stream.linear.gather [hbm4b:s26+s3], $0x50, $0x38;
	[tilespmem:$0x1C340] =	vst v63  }
0x64: {  	_ =	swait.ge [sflag:s0], $0x50  }
0x65: {  	[sflag:s0] =	ssyncset.done $0x0  }
0x66: {  	s22 =	sadd.s32 s1, s30;
	[sflag:s0] =	ssyncadd.s32 $0xFFFFFFB0  }
0x67: {  	[tilespmem:s4], [sflag:$0x3] =	stream.linear.gather [hbm4b:s22+s3], $0x50, $0x38;
	[tilespmem:$0x1C340] =	vst v63  }
0x68: {  	_ =	swait.ge [sflag:s0], $0x50  }
0x69: {  	[sflag:s0] =	ssyncset.done $0x0  }
0x6a: {  	[sflag:s0] =	ssyncadd.s32 $0xFFFFFFB0  }
0x6b: {  	[tilespmem:s31], [sflag:$0x1] =	stream.indirect.gather [hbm4b:s5+s4], $0x90, s3, s4, $0xb8;
	[tilespmem:$0x1C340] =	vst v63  }
0x6c: {  	_ =	swait.ge [sflag:s20], $0x2D00  }
0x6d: {  	[sflag:s20] =	ssyncset.done $0x0  }
0x6e: {  	[sflag:s20] =	ssyncadd.s32 $0xFFFFD300  }
0x6f: {  	[spmem:s2] =	stream.indirect.scatter.add.f32 [tilespmem:s9], [sflag:$0x3], $0x90, s8, s4, $0xb8;
	[tilespmem:$0x1C340] =	vst v63  }
0x70: {  	s28 =	simm.s32 $0x28;
	_ =	swait.ge [sflag:s0], $0x2D00  }
0x71: {  	s26 =	simm.s32 $0x14;
	s22 =	sadd.s32 $0xA0, s23;
	[sflag:s0] =	ssyncset.done $0x0  }
.LBB2_2:
0x72: {  	s30 =	sadd.s32 s26, s25  }
0x73: {  	[sflag:s0] =	ssyncadd.s32 $0xFFFFD300;
	s19 =	smov.u32 s28;
	s29 =	sadd.s32 $0x14, s28  }
0x74: {  	[tilespmem:s7], [sflag:$0x3] =	stream.linear.gather [hbm4b:s30+s3], $0x50, $0x38;
	[tilespmem:$0x1C340] =	vst v63  }
0x75: {  	p0 =	sne.s32 s28, $0x4C4;
	_ =	swait.ge [sflag:s0], $0x50  }
0x76: {  	[sflag:s0] =	ssyncset.done $0x0  }
0x77: {  	s28 =	sadd.s32 s26, s24;
	s26 =	smov.u32 s19;
	[sflag:s0] =	ssyncadd.s32 $0xFFFFFFB0  }
0x78: {  	[tilespmem:s8], [sflag:$0x3] =	stream.linear.gather [hbm4b:s28+s3], $0x50, $0x38;
	[tilespmem:$0x1C340] =	vst v63  }
0x79: {  	_ =	swait.ge [sflag:s0], $0x50  }
0x7a: {  	[sflag:s0] =	ssyncset.done $0x0  }
0x7b: {  	[sflag:s0] =	ssyncadd.s32 $0xFFFFFFB0  }
0x7c: {  	[tilespmem:s9], [sflag:$0x2] =	stream.indirect.gather [hbm4b:s5+s4], $0x90, s7, s4, $0xb8;
	[tilespmem:$0x1C340] =	vst v63  }
0x7d: {  	_ =	swait.ge [sflag:s11], $0x2D00  }
0x7e: {  	[sflag:s11] =	ssyncset.done $0x0  }
0x7f: {  	[sflag:s11] =	ssyncadd.s32 $0xFFFFD300  }
0x80: {  	[spmem:s2] =	stream.indirect.scatter.add.f32 [tilespmem:s31], [sflag:$0x3], $0x90, s4, s4, $0xb8;
	[tilespmem:$0x1C340] =	vst v63  }
0x81: {  	_ =	swait.ge [sflag:s0], $0x2D00  }
0x82: {  	s19 =	sshrl.u32 s22, $0x3;
	[sflag:s0] =	ssyncset.done $0x0  }
0x83: {  	s28 =	sadd.s32 s6, s19;
	[sflag:s0] =	ssyncadd.s32 $0xFFFFD300  }
0x84: {  	[tilespmem:s3], [sflag:$0x3] =	stream.linear.gather [hbm4b:s28+s3], $0x50, $0x38;
	[tilespmem:$0x1C340] =	vst v63  }
0x85: {  	_ =	swait.ge [sflag:s0], $0x50  }
0x86: {  	[sflag:s0] =	ssyncset.done $0x0  }
0x87: {  	s19 =	sadd.s32 s1, s19;
	[sflag:s0] =	ssyncadd.s32 $0xFFFFFFB0  }
0x88: {  	[tilespmem:s4], [sflag:$0x3] =	stream.linear.gather [hbm4b:s19+s3], $0x50, $0x38;
	[tilespmem:$0x1C340] =	vst v63  }
0x89: {  	_ =	swait.ge [sflag:s0], $0x50  }
0x8a: {  	[sflag:s0] =	ssyncset.done $0x0  }
0x8b: {  	[sflag:s0] =	ssyncadd.s32 $0xFFFFFFB0  }
0x8c: {  	[tilespmem:s31], [sflag:$0x1] =	stream.indirect.gather [hbm4b:s5+s4], $0x90, s3, s4, $0xb8;
	[tilespmem:$0x1C340] =	vst v63  }
0x8d: {  	_ =	swait.ge [sflag:s20], $0x2D00  }
.Ltmp0:
0x8e: {  	[sflag:s20] =	ssyncset.done $0x0;
	(pc) =	sbr.rel @p0 .LBB2_2-.Ltmp0, $4  }
0x8f: {  	[sflag:s20] =	ssyncadd.s32 $0xFFFFD300  }
0x90: {  	[spmem:s2] =	stream.indirect.scatter.add.f32 [tilespmem:s9], [sflag:$0x3], $0x90, s8, s4, $0xb8;
	[tilespmem:$0x1C340] =	vst v63  }
0x91: {  	_ =	swait.ge [sflag:s0], $0x2D00  }
0x92: {  	s22 =	sadd.s32 $0xA0, s22;
	s28 =	smov.u32 s29;
	[sflag:s0] =	ssyncset.done $0x0  }
0x93: {  	s19 =	sadd.s32 s26, s25;
	[sflag:s0] =	ssyncadd.s32 $0xFFFFD300  }
0x94: {  	[tilespmem:s7], [sflag:$0x3] =	stream.linear.gather [hbm4b:s19+s3], $0x50, $0x38;
	[tilespmem:$0x1C340] =	vst v63  }
0x95: {  	_ =	swait.ge [sflag:s0], $0x50  }
0x96: {  	[sflag:s0] =	ssyncset.done $0x0  }
0x97: {  	s29 =	sadd.s32 s26, s24;
	[sflag:s0] =	ssyncadd.s32 $0xFFFFFFB0  }
0x98: {  	[tilespmem:s8], [sflag:$0x3] =	stream.linear.gather [hbm4b:s29+s3], $0x50, $0x38;
	[tilespmem:$0x1C340] =	vst v63  }
0x99: {  	_ =	swait.ge [sflag:s0], $0x50  }
0x9a: {  	[sflag:s0] =	ssyncset.done $0x0  }
0x9b: {  	[sflag:s0] =	ssyncadd.s32 $0xFFFFFFB0  }
0x9c: {  	[tilespmem:s9], [sflag:$0x2] =	stream.indirect.gather [hbm4b:s5+s4], $0x90, s7, s4, $0xb8;
	[tilespmem:$0x1C340] =	vst v63  }
0x9d: {  	_ =	swait.ge [sflag:s11], $0x2D00  }
0x9e: {  	[sflag:s11] =	ssyncset.done $0x0  }
0x9f: {  	[sflag:s11] =	ssyncadd.s32 $0xFFFFD300  }
0xa0: {  	[spmem:s2] =	stream.indirect.scatter.add.f32 [tilespmem:s31], [sflag:$0x3], $0x90, s4, s4, $0xb8;
	[tilespmem:$0x1C340] =	vst v63  }
0xa1: {  	_ =	swait.ge [sflag:s0], $0x2D00  }
0xa2: {  	s30 =	sshrl.u32 s22, $0x3;
	[sflag:s0] =	ssyncset.done $0x0  }
0xa3: {  	s22 =	sadd.s32 s6, s30;
	[sflag:s0] =	ssyncadd.s32 $0xFFFFD300  }
0xa4: {  	[tilespmem:s3], [sflag:$0x3] =	stream.linear.gather [hbm4b:s22+s3], $0x50, $0x38;
	[tilespmem:$0x1C340] =	vst v63  }
0xa5: {  	_ =	swait.ge [sflag:s0], $0x50  }
0xa6: {  	[sflag:s0] =	ssyncset.done $0x0  }
0xa7: {  	s19 =	sadd.s32 s1, s30;
	[sflag:s0] =	ssyncadd.s32 $0xFFFFFFB0  }
0xa8: {  	[tilespmem:s4], [sflag:$0x3] =	stream.linear.gather [hbm4b:s19+s3], $0x50, $0x38;
	[tilespmem:$0x1C340] =	vst v63  }
0xa9: {  	_ =	swait.ge [sflag:s0], $0x50  }
0xaa: {  	[sflag:s0] =	ssyncset.done $0x0  }
0xab: {  	[sflag:s0] =	ssyncadd.s32 $0xFFFFFFB0  }
0xac: {  	[tilespmem:s31], [sflag:$0x1] =	stream.indirect.gather [hbm4b:s5+s4], $0x90, s3, s4, $0xb8;
	[tilespmem:$0x1C340] =	vst v63  }
0xad: {  	_ =	swait.ge [sflag:s20], $0x2D00  }
0xae: {  	[sflag:s20] =	ssyncset.done $0x0  }
0xaf: {  	[sflag:s20] =	ssyncadd.s32 $0xFFFFD300  }
0xb0: {  	[spmem:s2] =	stream.indirect.scatter.add.f32 [tilespmem:s9], [sflag:$0x3], $0x90, s8, s4, $0xb8;
	[tilespmem:$0x1C340] =	vst v63  }
0xb1: {  	_ =	swait.ge [sflag:s0], $0x2D00  }
0xb2: {  	[sflag:s0] =	ssyncset.done $0x0  }
0xb3: {  	[sflag:s0] =	ssyncadd.s32 $0xFFFFD300  }
0xb4: {  	_ =	swait.ge [sflag:s11], $0x2D00  }
0xb5: {  	[sflag:s11] =	ssyncset.done $0x0  }
0xb6: {  	[sflag:s11] =	ssyncadd.s32 $0xFFFFD300  }
0xb7: {  	[spmem:s2] =	stream.indirect.scatter.add.f32 [tilespmem:s31], [sflag:$0x3], $0x90, s4, s4, $0xb8;
	[tilespmem:$0x1C340] =	vst v63  }
0xb8: {  	_ =	swait.ge [sflag:s0], $0x2D00  }
0xb9: {  	[sflag:s0] =	ssyncset.done $0x0  }
0xba: {  	[sflag:s0] =	ssyncadd.s32 $0xFFFFD300  }
0xbb: {  	[bflag:$0x0] =	sbarrier.arrive $0xFFFF  }
0xbc: {  	[tilespmem:s31], [sflag:$0x3] =	stream.linear.gather [spmem:s10], $0x2D00, $0x38;
	[tilespmem:$0x1C340] =	vst v63  }
0xbd: {  	_ =	swait.ge [sflag:s0], $0x2D00  }
0xbe: {  	[sflag:s0] =	ssyncset.done $0x0  }
0xbf: {  	s26 =	rddreg [dreg:$0x8];
	[sflag:s0] =	ssyncadd.s32 $0xFFFFD300  }
0xc0: {  	[hbm4b:s26+s3] =	stream.linear.scatter [tilespmem:s31], [sflag:$0x3], $0x2D00, $0x38;
	[tilespmem:$0x1C340] =	vst v63  }
0xc1: {  	_ =	swait.ge [sflag:s0], $0x2D00  }
0xc2: {  	[sflag:s0] =	ssyncset.done $0x0  }
0xc3: {  	[sflag:s0] =	ssyncadd.s32 $0xFFFFD300  }
0xc4: {  	[tilespmem:s31], [sflag:$0x3] =	stream.linear.gather [spmem:s12], $0x2D00, $0x38;
	[tilespmem:$0x1C340] =	vst v63  }
0xc5: {  	_ =	swait.ge [sflag:s0], $0x2D00  }
0xc6: {  	[sflag:s0] =	ssyncset.done $0x0  }
0xc7: {  	s28 =	rddreg [dreg:$0x9];
	[sflag:s0] =	ssyncadd.s32 $0xFFFFD300  }
0xc8: {  	[hbm4b:s28+s3] =	stream.linear.scatter [tilespmem:s31], [sflag:$0x3], $0x2D00, $0x38;
	[tilespmem:$0x1C340] =	vst v63  }
0xc9: {  	_ =	swait.ge [sflag:s0], $0x2D00  }
0xca: {  	[sflag:s0] =	ssyncset.done $0x0  }
0xcb: {  	[sflag:s0] =	ssyncadd.s32 $0xFFFFD300  }
0xcc: {  	[tilespmem:s31], [sflag:$0x3] =	stream.linear.gather [spmem:s13], $0x2D00, $0x38;
	[tilespmem:$0x1C340] =	vst v63  }
0xcd: {  	_ =	swait.ge [sflag:s0], $0x2D00  }
0xce: {  	[sflag:s0] =	ssyncset.done $0x0  }
0xcf: {  	s29 =	rddreg [dreg:$0xa];
	[sflag:s0] =	ssyncadd.s32 $0xFFFFD300  }
0xd0: {  	[hbm4b:s29+s3] =	stream.linear.scatter [tilespmem:s31], [sflag:$0x3], $0x2D00, $0x38;
	[tilespmem:$0x1C340] =	vst v63  }
0xd1: {  	_ =	swait.ge [sflag:s0], $0x2D00  }
0xd2: {  	[sflag:s0] =	ssyncset.done $0x0  }
0xd3: {  	[sflag:s0] =	ssyncadd.s32 $0xFFFFD300  }
0xd4: {  	[tilespmem:s31], [sflag:$0x3] =	stream.linear.gather [spmem:s14], $0x2D00, $0x38;
	[tilespmem:$0x1C340] =	vst v63  }
0xd5: {  	_ =	swait.ge [sflag:s0], $0x2D00  }
0xd6: {  	[sflag:s0] =	ssyncset.done $0x0  }
0xd7: {  	s30 =	rddreg [dreg:$0xb];
	[sflag:s0] =	ssyncadd.s32 $0xFFFFD300  }
0xd8: {  	[hbm4b:s30+s3] =	stream.linear.scatter [tilespmem:s31], [sflag:$0x3], $0x2D00, $0x38;
	[tilespmem:$0x1C340] =	vst v63  }
0xd9: {  	_ =	swait.ge [sflag:s0], $0x2D00  }
0xda: {  	[sflag:s0] =	ssyncset.done $0x0  }
0xdb: {  	[sflag:s0] =	ssyncadd.s32 $0xFFFFD300  }
0xdc: {  	[tilespmem:s31], [sflag:$0x3] =	stream.linear.gather [spmem:s15], $0x2D00, $0x38;
	[tilespmem:$0x1C340] =	vst v63  }
0xdd: {  	_ =	swait.ge [sflag:s0], $0x2D00  }
0xde: {  	[sflag:s0] =	ssyncset.done $0x0  }
0xdf: {  	s22 =	rddreg [dreg:$0xc];
	[sflag:s0] =	ssyncadd.s32 $0xFFFFD300  }
0xe0: {  	[hbm4b:s22+s3] =	stream.linear.scatter [tilespmem:s31], [sflag:$0x3], $0x2D00, $0x38;
	[tilespmem:$0x1C340] =	vst v63  }
0xe1: {  	_ =	swait.ge [sflag:s0], $0x2D00  }
0xe2: {  	[sflag:s0] =	ssyncset.done $0x0  }
0xe3: {  	[sflag:s0] =	ssyncadd.s32 $0xFFFFD300  }
0xe4: {  	[tilespmem:s31], [sflag:$0x3] =	stream.linear.gather [spmem:s16], $0x2D00, $0x38;
	[tilespmem:$0x1C340] =	vst v63  }
0xe5: {  	_ =	swait.ge [sflag:s0], $0x2D00  }
0xe6: {  	[sflag:s0] =	ssyncset.done $0x0  }
0xe7: {  	s26 =	rddreg [dreg:$0xd];
	[sflag:s0] =	ssyncadd.s32 $0xFFFFD300  }
0xe8: {  	[hbm4b:s26+s3] =	stream.linear.scatter [tilespmem:s31], [sflag:$0x3], $0x2D00, $0x38;
	[tilespmem:$0x1C340] =	vst v63  }
0xe9: {  	_ =	swait.ge [sflag:s0], $0x2D00  }
0xea: {  	[sflag:s0] =	ssyncset.done $0x0  }
0xeb: {  	[sflag:s0] =	ssyncadd.s32 $0xFFFFD300  }
0xec: {  	[tilespmem:s31], [sflag:$0x3] =	stream.linear.gather [spmem:s17], $0x2D00, $0x38;
	[tilespmem:$0x1C340] =	vst v63  }
0xed: {  	_ =	swait.ge [sflag:s0], $0x2D00  }
0xee: {  	[sflag:s0] =	ssyncset.done $0x0  }
0xef: {  	s28 =	rddreg [dreg:$0xe];
	[sflag:s0] =	ssyncadd.s32 $0xFFFFD300  }
0xf0: {  	[hbm4b:s28+s3] =	stream.linear.scatter [tilespmem:s31], [sflag:$0x3], $0x2D00, $0x38;
	[tilespmem:$0x1C340] =	vst v63  }
0xf1: {  	_ =	swait.ge [sflag:s0], $0x2D00  }
0xf2: {  	[sflag:s0] =	ssyncset.done $0x0  }
0xf3: {  	[sflag:s0] =	ssyncadd.s32 $0xFFFFD300  }
0xf4: {  	[tilespmem:s31], [sflag:$0x3] =	stream.linear.gather [spmem:s18], $0x2D00, $0x38;
	[tilespmem:$0x1C340] =	vst v63  }
0xf5: {  	_ =	swait.ge [sflag:s0], $0x2D00  }
0xf6: {  	[sflag:s0] =	ssyncset.done $0x0  }
0xf7: {  	s29 =	rddreg [dreg:$0xf];
	[sflag:s0] =	ssyncadd.s32 $0xFFFFD300  }
0xf8: {  	[hbm4b:s29+s3] =	stream.linear.scatter [tilespmem:s31], [sflag:$0x3], $0x2D00, $0x38;
	[tilespmem:$0x1C340] =	vst v63  }
0xf9: {  	_ =	swait.ge [sflag:s0], $0x2D00  }
0xfa: {  	s21 =	sadd.s32 $0x1, s21;
	s30 =	rddreg [dreg:$0x7]  }
0xfb: {  	p0 =	sne.s32 s21, s30  }
.Ltmp1:
0xfc: {  	_ = 	snop;
	(pc) =	sbr.rel @p0 .LBB2_1-.Ltmp1, $3  }
0xfd: {  	_ =	sdelay $0x1  }
0xfe: {  	[sflag:s0] =	ssyncset.done $0x0  }
0xff: {  	[sflag:s0] =	ssyncadd.s32 $0xFFFFD300  }
0x100: {  	_ =	sfence.sel $0x180000  }
0x101: {  	[bflag:$0x0] =	sbarrier.arrive $0xFFFF  }
0x102: {  	_ =	strace $0x90000047  }
0x103: {  	s0 =	stileid.u32;
	[bflag:$0x2] =	sbarrier.arrive $0xFFFF  }
0x104: {  	p0 =	sne.s32 s0, $0x0;
	s0 =	rddreg [dreg:$0x3]  }
0x105: {  	s0 =	sadd.s32 @!p0 $0x100000, s0  }
0x106: {  	[sflag:s0] =	ssyncadd.tile.s32 @!p0 $0x1;
	_ =	shalt  }
.Lfunc_end2:
_tile_overlayer_lowered:
.L_overlay_start_2:
0x107: {  	(tag) =	ssettag $0x2  }
0x108: {  	s0 =	rddreg [dreg:$0x0];
	s2 =	stileid.u32  }
0x109: {  	s1 =	rddreg [dreg:$0x1];
	p0 =	sne.s32 s2, $0x0  }
0x10a: {  	s3 =	rddreg [dreg:$0x2];
	[bflag:$0x3] =	sbarrier.arrive $0xFFFF;
	s2 =	simm.s32 @!p0 $0x1C03  }
0x10b: {  	[timem:s3], [sflag:s2] =	dma.local @!p0 [hbm:s0], s1  }
0x10c: {  	s0 =	simm.s32 @!p0 $0x3  }
0x10d: {  	_ =	swait.ge @!p0 [sflag:s0], s1  }
0x10e: {  	s1 =	ssub.s32 @!p0 $0x0, s1;
	[sflag:s0] =	ssyncset.done @!p0 $0x0  }
0x10f: {  	[sflag:s0] =	ssyncadd.s32 @!p0 s1  }
0x110: {  	[bflag:$0x3] =	sbarrier.arrive $0xFFFF  }
0x111: {  	_ =	shalt  }

</sc_bundles>
